<compile_context>
chip_gen: v7x
topology: tpu7x:2x2x1
jax: 0.10.2.dev20260603
libtpu: 0.0.44.dev20260713+nightly
codegen_flags: <defaults>
</compile_context>

<pallas_src>
import functools

import jax
import jax.numpy as jnp
import numpy as np
from jax import lax
from jax.experimental import pallas as pl
from jax.experimental.pallas import tpu as pltpu

_MAX_RADIUS = 6.0
_N_BASIS = 8
_HIDDEN = 32
_N_NODES = 10000
_BOX = 65.64
_N_FEAT = 16
_N_WEIGHTS = 17

_PATHS = [(0, 0, 0), (0, 1, 1), (0, 2, 2),
          (1, 0, 1), (1, 1, 0), (1, 1, 2), (1, 2, 1), (1, 2, 3),
          (2, 0, 2), (2, 1, 1), (2, 1, 3), (2, 2, 0), (2, 2, 2),
          (3, 0, 3), (3, 1, 2), (3, 2, 1), (3, 2, 3)]
_IN_SL = {0: (0, 1), 1: (1, 4), 2: (4, 9), 3: (9, 16)}
_SH_SL = {0: (0, 1), 1: (1, 4), 2: (4, 9)}
_OUT_SL = {0: (0, 1), 1: (1, 4), 2: (4, 9), 3: (9, 16)}
_N_PATHS_OUT = {0: 3, 1: 5, 2: 5, 3: 4}
_PATH_W = np.array([np.sqrt((2 * l3 + 1) / _N_PATHS_OUT[l3])
                    for (_, _, l3) in _PATHS], dtype=np.float32)


def _real_sh_np(v):
    x = v[..., 0]; y = v[..., 1]; z = v[..., 2]
    s3 = 3.0 ** 0.5; s5 = 5.0 ** 0.5; s15 = 15.0 ** 0.5
    one = np.ones_like(x)
    Y0 = np.stack([one], axis=-1)
    Y1 = np.stack([s3 * y, s3 * z, s3 * x], axis=-1)
    Y2 = np.stack([s15 * x * y, s15 * y * z, (s5 / 2) * (3 * z * z - 1),
                   s15 * x * z, (s15 / 2) * (x * x - y * y)], axis=-1)
    a = (35.0 / 8) ** 0.5; b = 105.0 ** 0.5; c = (21.0 / 8) ** 0.5
    d = (7.0 ** 0.5) / 2
    Y3 = np.stack([a * y * (3 * x * x - y * y), b * x * y * z,
                   c * y * (5 * z * z - 1), d * z * (5 * z * z - 3),
                   c * x * (5 * z * z - 1), (b / 2) * z * (x * x - y * y),
                   a * x * (x * x - 3 * y * y)], axis=-1)
    return [Y0, Y1, Y2, Y3]


def _coupling_tensors():
    u, wu = np.polynomial.legendre.leggauss(20)
    nphi = 64
    phi = np.linspace(0, 2 * np.pi, nphi, endpoint=False)
    U = u[:, None] * np.ones((1, nphi))
    P = np.ones((len(u), 1)) * phi[None, :]
    Wq = (wu[:, None] / 2.0 / nphi) * np.ones((1, nphi))
    st = np.sqrt(np.clip(1 - U * U, 0.0, None))
    pts = np.stack([st * np.cos(P), st * np.sin(P), U], axis=-1)
    Ys = _real_sh_np(pts)
    out = []
    for (l1, l2, l3) in _PATHS:
        G = np.einsum('ab,abi,abj,abk->ijk', Wq, Ys[l1], Ys[l2], Ys[l3])
        G = G / np.linalg.norm(G)
        flat = G.reshape(-1)
        j = int(np.argmax(np.abs(flat)))
        G = G * np.sign(flat[j])
        out.append(G.astype(np.float32))
    return out


_W3J = _coupling_tensors()


def _silu_cst_np():
    z = np.linspace(-12.0, 12.0, 40001)
    pdf = np.exp(-z * z / 2) / np.sqrt(2 * np.pi)
    s = z / (1 + np.exp(-z))
    m2 = np.sum(s * s * pdf) * (z[1] - z[0])
    return float(1.0 / np.sqrt(m2))


_SILU_CST = _silu_cst_np()

_RB_VALUES = np.linspace(0.0, _MAX_RADIUS, _N_BASIS + 2)[1:-1].astype(np.float32)
_RB_INV_STEP = np.float32(1.0 / (_RB_VALUES[1] - _RB_VALUES[0]))

_PATH_TERMS = []
for _p, (_l1, _l2, _l3) in enumerate(_PATHS):
    _G = _W3J[_p]
    _terms = [(i, j, k, float(_G[i, j, k]))
              for i in range(_G.shape[0])
              for j in range(_G.shape[1])
              for k in range(_G.shape[2])
              if abs(_G[i, j, k]) > 1e-6]
    _PATH_TERMS.append(_terms)

_EDGE_CAP = int(4.0 * _N_NODES * _N_NODES * (4.0 / 3.0) * np.pi
                * (_MAX_RADIUS ** 3) / (_BOX ** 3))

_BE = 2048
_W = 640


def _edge_kernel(v_ref, x_ref, s_ref, w1_ref, w2_ref, out_ref, acc_ref):
    pid = pl.program_id(0)

    @pl.when(pid == 0)
    def _():
        acc_ref[...] = jnp.zeros_like(acc_ref)

    vx = v_ref[0:1, :]
    vy = v_ref[1:2, :]
    vz = v_ref[2:3, :]
    r2 = vx * vx + vy * vy + vz * vz
    r = jnp.sqrt(r2)
    inv_r = 1.0 / jnp.maximum(r, jnp.float32(1e-20))
    x = vx * inv_r
    y = vy * inv_r
    z = vz * inv_r

    s3 = np.float32(3.0 ** 0.5)
    s5h = np.float32((5.0 ** 0.5) / 2)
    s15 = np.float32(15.0 ** 0.5)
    s15h = np.float32((15.0 ** 0.5) / 2)
    sh = [jnp.ones_like(x),
          s3 * y, s3 * z, s3 * x,
          s15 * x * y, s15 * y * z, s5h * (3.0 * z * z - 1.0),
          s15 * x * z, s15h * (x * x - y * y)]

    emb_rows = [jnp.exp(-jnp.square((r - np.float32(c)) * _RB_INV_STEP))
                for c in _RB_VALUES]
    emb = jnp.concatenate(emb_rows, axis=0)
    pre = jax.lax.dot_general(w1_ref[...], emb, (((0,), (0,)), ((), ())),
                              preferred_element_type=jnp.float32)
    pre = pre * np.float32(1.0 / 1.12)
    h = (pre / (1.0 + jnp.exp(-pre))) * np.float32(_SILU_CST)
    w = jax.lax.dot_general(w2_ref[...], h, (((0,), (0,)), ((), ())),
                            preferred_element_type=jnp.float32)
    w = w * np.float32(1.0 / (_HIDDEN ** 0.5))

    c_rows = [None] * _N_FEAT
    prod_cache = {}
    for p, (l1, l2, l3) in enumerate(_PATHS):
        a0, _ = _IN_SL[l1]
        b0, _ = _SH_SL[l2]
        o0, _ = _OUT_SL[l3]
        wrow = w[p:p + 1, :] * np.float32(_PATH_W[p])
        tmp = {}
        for (i, j, k, g) in _PATH_TERMS[p]:
            key = (a0 + i, b0 + j)
            xy = prod_cache.get(key)
            if xy is None:
                xy = x_ref[a0 + i:a0 + i + 1, :] * sh[b0 + j]
                prod_cache[key] = xy
            t = xy * np.float32(g)
            tmp[k] = t if k not in tmp else tmp[k] + t
        for k, t in tmp.items():
            contrib = wrow * t
            kk = o0 + k
            c_rows[kk] = contrib if c_rows[kk] is None else c_rows[kk] + contrib
    cmat = jnp.concatenate(c_rows, axis=0)

    n = acc_ref.shape[1]
    lo = jnp.minimum((s_ref[0, 0] // 128) * 128, n - _W)
    lo = pl.multiple_of(lo, 128)
    cols = lo + lax.broadcasted_iota(jnp.int32, (_BE, _W), 1)
    oneh = (s_ref[...] == cols).astype(jnp.float32)
    win = jax.lax.dot_general(cmat, oneh, (((1,), (0,)), ((), ())),
                              preferred_element_type=jnp.float32)
    acc_ref[:, pl.ds(lo, _W)] += win

    @pl.when(pid == pl.num_programs(0) - 1)
    def _():
        out_ref[...] = acc_ref[...]


@functools.partial(jax.jit, static_argnames=())
def kernel(f_in, pos, W1, W2):
    n = pos.shape[0]
    sq = jnp.sum(pos * pos, axis=1)
    d2 = sq[:, None] + sq[None, :] - 2.0 * (pos @ pos.T)
    idx = jnp.arange(n)
    mask = (d2 < _MAX_RADIUS * _MAX_RADIUS) & (idx[:, None] != idx[None, :])
    src, dst = jnp.nonzero(mask, size=_EDGE_CAP, fill_value=n)
    n_edges = jnp.sum(mask)

    post = pos.T
    vt = jnp.take(post, src, axis=1) - jnp.take(post, dst, axis=1)
    v8 = jnp.pad(vt, ((0, 5), (0, 0)))
    x1t = jnp.take(f_in.T, dst, axis=1)

    grid = (pl.cdiv(_EDGE_CAP, _BE),)
    outT = pl.pallas_call(
        _edge_kernel,
        grid=grid,
        in_specs=[
            pl.BlockSpec((8, _BE), lambda e: (0, e)),
            pl.BlockSpec((_N_FEAT, _BE), lambda e: (0, e)),
            pl.BlockSpec((_BE, 1), lambda e: (e, 0)),
            pl.BlockSpec((_N_BASIS, _HIDDEN), lambda e: (0, 0)),
            pl.BlockSpec((_HIDDEN, _N_WEIGHTS), lambda e: (0, 0)),
        ],
        out_specs=pl.BlockSpec((_N_FEAT, 10000), lambda e: (0, 0)),
        out_shape=jax.ShapeDtypeStruct((_N_FEAT, 10000), jnp.float32),
        scratch_shapes=[pltpu.VMEM((_N_FEAT, 10000), jnp.float32)],
    )(v8, x1t, src[:, None].astype(jnp.int32), W1, W2)

    inv_norm = jax.lax.rsqrt(n_edges.astype(jnp.float32) / jnp.float32(n))
    return outT.T * inv_norm

# --- scband reference (transcript-rebuilt; emitter-appended) ---
"""Pipeline reference for scband-e3-conv-30408368455708 (READ-ONLY COPY).

The authoritative reference and input builder live on the scoring server;
editing this copy changes nothing except your own understanding.
"""

import jax, jax.numpy as jnp
import numpy as np

MAX_RADIUS = 6.0
N_BASIS = 8
HIDDEN = 32
N_NODES = 10000
BOX = 65.64
N_FEAT = 16
N_WEIGHTS = 17

PATHS = [(0, 0, 0), (0, 1, 1), (0, 2, 2),
         (1, 0, 1), (1, 1, 0), (1, 1, 2), (1, 2, 1), (1, 2, 3),
         (2, 0, 2), (2, 1, 1), (2, 1, 3), (2, 2, 0), (2, 2, 2),
         (3, 0, 3), (3, 1, 2), (3, 2, 1), (3, 2, 3)]
IN_SL = {0: (0, 1), 1: (1, 4), 2: (4, 9), 3: (9, 16)}
SH_SL = {0: (0, 1), 1: (1, 4), 2: (4, 9)}
N_PATHS_OUT = {0: 3, 1: 5, 2: 5, 3: 4}
PATH_W = np.array([np.sqrt((2 * l3 + 1) / N_PATHS_OUT[l3]) for (_, _, l3) in PATHS], dtype=np.float32)


def real_sh(v, xp):
    # component-normalized real spherical harmonics, l=0..3, m=-l..l, assumes |v|=1
    x = v[..., 0]; y = v[..., 1]; z = v[..., 2]
    s3 = 3.0 ** 0.5; s5 = 5.0 ** 0.5; s15 = 15.0 ** 0.5
    one = xp.ones_like(x)
    Y0 = xp.stack([one], axis=-1)
    Y1 = xp.stack([s3 * y, s3 * z, s3 * x], axis=-1)
    Y2 = xp.stack([s15 * x * y, s15 * y * z, (s5 / 2) * (3 * z * z - 1),
                   s15 * x * z, (s15 / 2) * (x * x - y * y)], axis=-1)
    a = (35.0 / 8) ** 0.5; b = 105.0 ** 0.5; c = (21.0 / 8) ** 0.5; d = (7.0 ** 0.5) / 2
    Y3 = xp.stack([a * y * (3 * x * x - y * y), b * x * y * z, c * y * (5 * z * z - 1),
                   d * z * (5 * z * z - 3), c * x * (5 * z * z - 1),
                   (b / 2) * z * (x * x - y * y), a * x * (x * x - 3 * y * y)], axis=-1)
    return [Y0, Y1, Y2, Y3]


def _compute_w3j():
    # invariant (Wigner-3j-like) coupling tensors via exact sphere quadrature of Y1*Y2*Y3
    u, wu = np.polynomial.legendre.leggauss(20)
    nphi = 64
    phi = np.linspace(0, 2 * np.pi, nphi, endpoint=False)
    U = u[:, None] * np.ones((1, nphi))
    P = np.ones((len(u), 1)) * phi[None, :]
    Wq = (wu[:, None] / 2.0 / nphi) * np.ones((1, nphi))
    st = np.sqrt(np.clip(1 - U * U, 0.0, None))
    pts = np.stack([st * np.cos(P), st * np.sin(P), U], axis=-1)
    Ys = real_sh(pts, np)
    out = []
    for (l1, l2, l3) in PATHS:
        G = np.einsum('ab,abi,abj,abk->ijk', Wq, Ys[l1], Ys[l2], Ys[l3])
        G = G / np.linalg.norm(G)
        flat = G.reshape(-1)
        j = int(np.argmax(np.abs(flat)))
        G = G * np.sign(flat[j])
        out.append(G.astype(np.float32))
    return out


W3J = _compute_w3j()


def _silu_cst():
    z = np.linspace(-12.0, 12.0, 40001)
    pdf = np.exp(-z * z / 2) / np.sqrt(2 * np.pi)
    s = z / (1 + np.exp(-z))
    m2 = np.sum(s * s * pdf) * (z[1] - z[0])
    return float(1.0 / np.sqrt(m2))


SILU_CST = _silu_cst()


def soft_one_hot(x, start, end, number):
    # e3nn soft_one_hot_linspace, basis='gaussian', cutoff=True
    values = np.linspace(start, end, number + 2)[1:-1]
    step = values[1] - values[0]
    diff = (x[:, None] - jnp.asarray(values, dtype=x.dtype)) / step
    return jnp.exp(-diff ** 2) / 1.12


def radius_graph(pos, r):
    sq = jnp.sum(pos * pos, axis=1)
    d2 = sq[:, None] + sq[None, :] - 2.0 * (pos @ pos.T)
    n = pos.shape[0]
    idx = jnp.arange(n)
    mask = (d2 < r * r) & (idx[:, None] != idx[None, :])
    # static edge capacity from geometry: density * cutoff-ball volume, 4x margin
    cap = int(4.0 * n * n * (4.0 / 3.0) * np.pi * (r ** 3) / (BOX ** 3))
    src, dst = jnp.nonzero(mask, size=cap, fill_value=n)
    n_edges = jnp.sum(mask)
    return src, dst, n_edges


def _veltkamp(a):
    t = a * jnp.float32(4097.0)
    hi = t - (t - a)
    return hi, a - hi


def _prod_resid(a, b, p):
    ah, al = _veltkamp(a)
    bh, bl = _veltkamp(b)
    return ((ah * bh - p) + ah * bl + al * bh) + al * bl


def _sqrt_ratio(e, n):
    # float32 sqrt(e/n) with Dekker compensation (matches float64 sqrt then cast)
    ef = e.astype(jnp.float32)
    nf = jnp.float32(n)
    q = ef / nf
    p = q * nf
    q_lo = ((ef - p) - _prod_resid(q, nf, p)) / nf
    y = jnp.sqrt(q)
    py = y * y
    d = ((q - py) - _prod_resid(y, y, py)) + q_lo
    return y + d / (2.0 * y)


def e3conv_forward(f_in, pos, W1, W2, src, dst, n_edges):
    n_nodes = pos.shape[0]
    edge_vec = pos[dst] - pos[src]
    rlen = jnp.sqrt(jnp.sum(edge_vec * edge_vec, axis=1))
    unit = edge_vec / rlen[:, None]
    Ys = real_sh(unit, jnp)
    sh = jnp.concatenate(Ys[:3], axis=-1)  # lmax=2 -> 9 components
    emb = soft_one_hot(rlen, 0.0, MAX_RADIUS, N_BASIS) * (N_BASIS ** 0.5)
    h = jax.nn.silu(emb @ W1 / (N_BASIS ** 0.5)) * SILU_CST
    w = h @ W2 / (HIDDEN ** 0.5)  # [E, 17] per-edge tensor-product weights
    x1 = f_in[src]
    blocks = {0: 0.0, 1: 0.0, 2: 0.0, 3: 0.0}
    for p, (l1, l2, l3) in enumerate(PATHS):
        a0, a1 = IN_SL[l1]
        b0, b1 = SH_SL[l2]
        term = jnp.einsum('ijk,ei,ej->ek', jnp.asarray(W3J[p]), x1[:, a0:a1], sh[:, b0:b1])
        blocks[l3] = blocks[l3] + float(PATH_W[p]) * w[:, p:p + 1] * term
    edge_out = jnp.concatenate([blocks[0], blocks[1], blocks[2], blocks[3]], axis=-1)
    out = jnp.zeros((n_nodes, N_FEAT), dtype=f_in.dtype).at[dst].add(edge_out)
    num_neighbors_sqrt = _sqrt_ratio(n_edges, n_nodes)
    return out / num_neighbors_sqrt


def setup_inputs(seed: int = 0) -> dict:
    key = jax.random.key(seed)
    k1, k2, k3, k4 = jax.random.split(key, 4)
    f_in = jax.random.normal(k1, (N_NODES, N_FEAT), dtype=jnp.float32)
    pos = jax.random.uniform(k2, (N_NODES, 3), dtype=jnp.float32) * BOX
    W1 = jax.random.normal(k3, (N_BASIS, HIDDEN), dtype=jnp.float32)
    W2 = jax.random.normal(k4, (HIDDEN, N_WEIGHTS), dtype=jnp.float32)
    return {"f_in": f_in, "pos": pos, "W1": W1, "W2": W2}


def reference(f_in, pos, W1, W2):
    src, dst, n_edges = radius_graph(pos, MAX_RADIUS)
    return e3conv_forward(f_in, pos, W1, W2, src, dst, n_edges)

if __name__ == "__main__":
    import jax
    _d = setup_inputs()
    print(jax.jit(kernel)(*tuple(_d.values())))

</pallas_src>

<mosaic_0001>
module attributes {stable_mosaic.version = 14 : i64} {
  func.func @_edge_kernel(%arg0: i32, %arg1: memref<8x2048xf32, #tpu.memory_space<vmem>>, %arg2: memref<16x2048xf32, #tpu.memory_space<vmem>>, %arg3: memref<2048x1xi32, #tpu.memory_space<vmem>>, %arg4: memref<8x32xf32, #tpu.memory_space<vmem>>, %arg5: memref<32x17xf32, #tpu.memory_space<vmem>>, %arg6: memref<16x10000xf32, #tpu.memory_space<vmem>>, %arg7: memref<16x10000xf32, #tpu.memory_space<vmem>>) attributes {dimension_semantics = [#tpu.dimension_semantics<arbitrary>], iteration_bounds = array<i64: 625>, scalar_prefetch = 0 : i64, scratch_operands = 1 : i64, tpu.core_type = #tpu.core_type<tc>, window_params = [{transform_indices = @transform_0, window_bounds = array<i64: 8, 2048>}, {transform_indices = @transform_1, window_bounds = array<i64: 16, 2048>}, {transform_indices = @transform_2, window_bounds = array<i64: 2048, 1>}, {pipeline_mode = #tpu.pipeline_mode<synchronous>, transform_indices = @transform_3, window_bounds = array<i64: 8, 32>}, {pipeline_mode = #tpu.pipeline_mode<synchronous>, transform_indices = @transform_4, window_bounds = array<i64: 32, 17>}, {pipeline_mode = #tpu.pipeline_mode<synchronous>, transform_indices = @transform_5, window_bounds = array<i64: 16, 10000>}]} {
    %eq3A = arith.constant 0 : i32
    %eq3A_0 = arith.cmpi eq, %arg0, %eq3A : i32
    %convert_element_type3A = arith.extui %eq3A_0 : i1 to i32
    %cond3A = arith.constant 0 : i32
    %cond3A_1 = arith.cmpi ne, %convert_element_type3A, %cond3A : i32
    scf.if %cond3A_1 {
      %broadcast_in_dim3A_1742 = arith.constant 0.000000e+00 : f32
      %broadcast_in_dim3A_1743 = vector.broadcast %broadcast_in_dim3A_1742 : f32 to vector<16x10000xf32>
      %swap3A_1744 = arith.constant 0 : index
      %swap3A_1745 = arith.constant 0 : index
      %swap3A_1746 = vector.load %arg7[%swap3A_1744, %swap3A_1745] : memref<16x10000xf32, #tpu.memory_space<vmem>>, vector<16x10000xf32>
      tpu.vector_store %arg7[%swap3A_1744, %swap3A_1745], %broadcast_in_dim3A_1743 {strides = array<i32>} : memref<16x10000xf32, #tpu.memory_space<vmem>>, vector<16x10000xf32>,
    } else {
    }
    %get3A = arith.constant 0 : index
    %get3A_2 = arith.constant 0 : index
    %get3A_3 = vector.load %arg1[%get3A, %get3A_2] : memref<8x2048xf32, #tpu.memory_space<vmem>>, vector<1x2048xf32>
    %get3A_4 = arith.constant 1 : index
    %get3A_5 = arith.constant 0 : index
    %get3A_6 = vector.load %arg1[%get3A_4, %get3A_5] : memref<8x2048xf32, #tpu.memory_space<vmem>>, vector<1x2048xf32>
    %get3A_7 = arith.constant 2 : index
    %get3A_8 = arith.constant 0 : index
    %get3A_9 = vector.load %arg1[%get3A_7, %get3A_8] : memref<8x2048xf32, #tpu.memory_space<vmem>>, vector<1x2048xf32>
    %mul3A = arith.mulf %get3A_3, %get3A_3 : vector<1x2048xf32>
    %mul3A_10 = arith.mulf %get3A_6, %get3A_6 : vector<1x2048xf32>
    %add3A = arith.addf %mul3A, %mul3A_10 : vector<1x2048xf32>
    %mul3A_11 = arith.mulf %get3A_9, %get3A_9 : vector<1x2048xf32>
    %add3A_12 = arith.addf %add3A, %mul3A_11 : vector<1x2048xf32>
    %sqrt3A = math.sqrt %add3A_12 : vector<1x2048xf32>
    %max3A = arith.constant 9.99999968E-21 : f32
    %max3A_13 = vector.broadcast %max3A : f32 to vector<1x2048xf32>
    %max3A_14 = arith.maximumf %sqrt3A, %max3A_13 : vector<1x2048xf32>
    %div3A = arith.constant 1.000000e+00 : f32
    %div3A_15 = vector.broadcast %div3A : f32 to vector<1x2048xf32>
    %div3A_16 = arith.divf %div3A_15, %max3A_14 : vector<1x2048xf32>
    %mul3A_17 = arith.mulf %get3A_3, %div3A_16 : vector<1x2048xf32>
    %mul3A_18 = arith.mulf %get3A_6, %div3A_16 : vector<1x2048xf32>
    %mul3A_19 = arith.mulf %get3A_9, %div3A_16 : vector<1x2048xf32>
    %broadcast_in_dim3A = arith.constant 1.000000e+00 : f32
    %broadcast_in_dim3A_20 = vector.broadcast %broadcast_in_dim3A : f32 to vector<1x2048xf32>
    %mul3A_21 = arith.constant 1.73205078 : f32
    %mul3A_22 = vector.broadcast %mul3A_21 : f32 to vector<1x2048xf32>
    %mul3A_23 = arith.mulf %mul3A_22, %mul3A_18 : vector<1x2048xf32>
    %mul3A_24 = arith.constant 1.73205078 : f32
    %mul3A_25 = vector.broadcast %mul3A_24 : f32 to vector<1x2048xf32>
    %mul3A_26 = arith.mulf %mul3A_25, %mul3A_19 : vector<1x2048xf32>
    %mul3A_27 = arith.constant 1.73205078 : f32
    %mul3A_28 = vector.broadcast %mul3A_27 : f32 to vector<1x2048xf32>
    %mul3A_29 = arith.mulf %mul3A_28, %mul3A_17 : vector<1x2048xf32>
    %mul3A_30 = arith.constant 3.87298346 : f32
    %mul3A_31 = vector.broadcast %mul3A_30 : f32 to vector<1x2048xf32>
    %mul3A_32 = arith.mulf %mul3A_31, %mul3A_17 : vector<1x2048xf32>
    %mul3A_33 = arith.mulf %mul3A_32, %mul3A_18 : vector<1x2048xf32>
    %mul3A_34 = arith.constant 3.87298346 : f32
    %mul3A_35 = vector.broadcast %mul3A_34 : f32 to vector<1x2048xf32>
    %mul3A_36 = arith.mulf %mul3A_35, %mul3A_18 : vector<1x2048xf32>
    %mul3A_37 = arith.mulf %mul3A_36, %mul3A_19 : vector<1x2048xf32>
    %mul3A_38 = arith.constant 3.000000e+00 : f32
    %mul3A_39 = vector.broadcast %mul3A_38 : f32 to vector<1x2048xf32>
    %mul3A_40 = arith.mulf %mul3A_39, %mul3A_19 : vector<1x2048xf32>
    %mul3A_41 = arith.mulf %mul3A_40, %mul3A_19 : vector<1x2048xf32>
    %sub3A = arith.constant 1.000000e+00 : f32
    %sub3A_42 = vector.broadcast %sub3A : f32 to vector<1x2048xf32>
    %sub3A_43 = arith.subf %mul3A_41, %sub3A_42 : vector<1x2048xf32>
    %mul3A_44 = arith.constant 1.11803401 : f32
    %mul3A_45 = vector.broadcast %mul3A_44 : f32 to vector<1x2048xf32>
    %mul3A_46 = arith.mulf %mul3A_45, %sub3A_43 : vector<1x2048xf32>
    %mul3A_47 = arith.constant 3.87298346 : f32
    %mul3A_48 = vector.broadcast %mul3A_47 : f32 to vector<1x2048xf32>
    %mul3A_49 = arith.mulf %mul3A_48, %mul3A_17 : vector<1x2048xf32>
    %mul3A_50 = arith.mulf %mul3A_49, %mul3A_19 : vector<1x2048xf32>
    %mul3A_51 = arith.mulf %mul3A_17, %mul3A_17 : vector<1x2048xf32>
    %mul3A_52 = arith.mulf %mul3A_18, %mul3A_18 : vector<1x2048xf32>
    %sub3A_53 = arith.subf %mul3A_51, %mul3A_52 : vector<1x2048xf32>
    %mul3A_54 = arith.constant 1.93649173 : f32
    %mul3A_55 = vector.broadcast %mul3A_54 : f32 to vector<1x2048xf32>
    %mul3A_56 = arith.mulf %mul3A_55, %sub3A_53 : vector<1x2048xf32>
    %sub3A_57 = arith.constant 0.666666686 : f32
    %sub3A_58 = vector.broadcast %sub3A_57 : f32 to vector<1x2048xf32>
    %sub3A_59 = arith.subf %sqrt3A, %sub3A_58 : vector<1x2048xf32>
    %mul3A_60 = arith.constant 1.500000e+00 : f32
    %mul3A_61 = vector.broadcast %mul3A_60 : f32 to vector<1x2048xf32>
    %mul3A_62 = arith.mulf %sub3A_59, %mul3A_61 : vector<1x2048xf32>
    %square3A = arith.mulf %mul3A_62, %mul3A_62 : vector<1x2048xf32>
    %neg3A = arith.constant 0.000000e+00 : f32
    %neg3A_63 = vector.broadcast %neg3A : f32 to vector<1x2048xf32>
    %neg3A_64 = arith.subf %neg3A_63, %square3A : vector<1x2048xf32>
    %exp3A = math.exp %neg3A_64 : vector<1x2048xf32>
    %sub3A_65 = arith.constant 1.33333337 : f32
    %sub3A_66 = vector.broadcast %sub3A_65 : f32 to vector<1x2048xf32>
    %sub3A_67 = arith.subf %sqrt3A, %sub3A_66 : vector<1x2048xf32>
    %mul3A_68 = arith.constant 1.500000e+00 : f32
    %mul3A_69 = vector.broadcast %mul3A_68 : f32 to vector<1x2048xf32>
    %mul3A_70 = arith.mulf %sub3A_67, %mul3A_69 : vector<1x2048xf32>
    %square3A_71 = arith.mulf %mul3A_70, %mul3A_70 : vector<1x2048xf32>
    %neg3A_72 = arith.constant 0.000000e+00 : f32
    %neg3A_73 = vector.broadcast %neg3A_72 : f32 to vector<1x2048xf32>
    %neg3A_74 = arith.subf %neg3A_73, %square3A_71 : vector<1x2048xf32>
    %exp3A_75 = math.exp %neg3A_74 : vector<1x2048xf32>
    %sub3A_76 = arith.constant 2.000000e+00 : f32
    %sub3A_77 = vector.broadcast %sub3A_76 : f32 to vector<1x2048xf32>
    %sub3A_78 = arith.subf %sqrt3A, %sub3A_77 : vector<1x2048xf32>
    %mul3A_79 = arith.constant 1.500000e+00 : f32
    %mul3A_80 = vector.broadcast %mul3A_79 : f32 to vector<1x2048xf32>
    %mul3A_81 = arith.mulf %sub3A_78, %mul3A_80 : vector<1x2048xf32>
    %square3A_82 = arith.mulf %mul3A_81, %mul3A_81 : vector<1x2048xf32>
    %neg3A_83 = arith.constant 0.000000e+00 : f32
    %neg3A_84 = vector.broadcast %neg3A_83 : f32 to vector<1x2048xf32>
    %neg3A_85 = arith.subf %neg3A_84, %square3A_82 : vector<1x2048xf32>
    %exp3A_86 = math.exp %neg3A_85 : vector<1x2048xf32>
    %sub3A_87 = arith.constant 2.66666675 : f32
    %sub3A_88 = vector.broadcast %sub3A_87 : f32 to vector<1x2048xf32>
    %sub3A_89 = arith.subf %sqrt3A, %sub3A_88 : vector<1x2048xf32>
    %mul3A_90 = arith.constant 1.500000e+00 : f32
    %mul3A_91 = vector.broadcast %mul3A_90 : f32 to vector<1x2048xf32>
    %mul3A_92 = arith.mulf %sub3A_89, %mul3A_91 : vector<1x2048xf32>
    %square3A_93 = arith.mulf %mul3A_92, %mul3A_92 : vector<1x2048xf32>
    %neg3A_94 = arith.constant 0.000000e+00 : f32
    %neg3A_95 = vector.broadcast %neg3A_94 : f32 to vector<1x2048xf32>
    %neg3A_96 = arith.subf %neg3A_95, %square3A_93 : vector<1x2048xf32>
    %exp3A_97 = math.exp %neg3A_96 : vector<1x2048xf32>
    %sub3A_98 = arith.constant 3.33333325 : f32
    %sub3A_99 = vector.broadcast %sub3A_98 : f32 to vector<1x2048xf32>
    %sub3A_100 = arith.subf %sqrt3A, %sub3A_99 : vector<1x2048xf32>
    %mul3A_101 = arith.constant 1.500000e+00 : f32
    %mul3A_102 = vector.broadcast %mul3A_101 : f32 to vector<1x2048xf32>
    %mul3A_103 = arith.mulf %sub3A_100, %mul3A_102 : vector<1x2048xf32>
    %square3A_104 = arith.mulf %mul3A_103, %mul3A_103 : vector<1x2048xf32>
    %neg3A_105 = arith.constant 0.000000e+00 : f32
    %neg3A_106 = vector.broadcast %neg3A_105 : f32 to vector<1x2048xf32>
    %neg3A_107 = arith.subf %neg3A_106, %square3A_104 : vector<1x2048xf32>
    %exp3A_108 = math.exp %neg3A_107 : vector<1x2048xf32>
    %sub3A_109 = arith.constant 4.000000e+00 : f32
    %sub3A_110 = vector.broadcast %sub3A_109 : f32 to vector<1x2048xf32>
    %sub3A_111 = arith.subf %sqrt3A, %sub3A_110 : vector<1x2048xf32>
    %mul3A_112 = arith.constant 1.500000e+00 : f32
    %mul3A_113 = vector.broadcast %mul3A_112 : f32 to vector<1x2048xf32>
    %mul3A_114 = arith.mulf %sub3A_111, %mul3A_113 : vector<1x2048xf32>
    %square3A_115 = arith.mulf %mul3A_114, %mul3A_114 : vector<1x2048xf32>
    %neg3A_116 = arith.constant 0.000000e+00 : f32
    %neg3A_117 = vector.broadcast %neg3A_116 : f32 to vector<1x2048xf32>
    %neg3A_118 = arith.subf %neg3A_117, %square3A_115 : vector<1x2048xf32>
    %exp3A_119 = math.exp %neg3A_118 : vector<1x2048xf32>
    %sub3A_120 = arith.constant 4.66666651 : f32
    %sub3A_121 = vector.broadcast %sub3A_120 : f32 to vector<1x2048xf32>
    %sub3A_122 = arith.subf %sqrt3A, %sub3A_121 : vector<1x2048xf32>
    %mul3A_123 = arith.constant 1.500000e+00 : f32
    %mul3A_124 = vector.broadcast %mul3A_123 : f32 to vector<1x2048xf32>
    %mul3A_125 = arith.mulf %sub3A_122, %mul3A_124 : vector<1x2048xf32>
    %square3A_126 = arith.mulf %mul3A_125, %mul3A_125 : vector<1x2048xf32>
    %neg3A_127 = arith.constant 0.000000e+00 : f32
    %neg3A_128 = vector.broadcast %neg3A_127 : f32 to vector<1x2048xf32>
    %neg3A_129 = arith.subf %neg3A_128, %square3A_126 : vector<1x2048xf32>
    %exp3A_130 = math.exp %neg3A_129 : vector<1x2048xf32>
    %sub3A_131 = arith.constant 5.33333349 : f32
    %sub3A_132 = vector.broadcast %sub3A_131 : f32 to vector<1x2048xf32>
    %sub3A_133 = arith.subf %sqrt3A, %sub3A_132 : vector<1x2048xf32>
    %mul3A_134 = arith.constant 1.500000e+00 : f32
    %mul3A_135 = vector.broadcast %mul3A_134 : f32 to vector<1x2048xf32>
    %mul3A_136 = arith.mulf %sub3A_133, %mul3A_135 : vector<1x2048xf32>
    %square3A_137 = arith.mulf %mul3A_136, %mul3A_136 : vector<1x2048xf32>
    %neg3A_138 = arith.constant 0.000000e+00 : f32
    %neg3A_139 = vector.broadcast %neg3A_138 : f32 to vector<1x2048xf32>
    %neg3A_140 = arith.subf %neg3A_139, %square3A_137 : vector<1x2048xf32>
    %exp3A_141 = math.exp %neg3A_140 : vector<1x2048xf32>
    %concatenate3A = tpu.concatenate %exp3A, %exp3A_75, %exp3A_86, %exp3A_97, %exp3A_108, %exp3A_119, %exp3A_130, %exp3A_141 in 0 : vector<1x2048xf32>, vector<1x2048xf32>, vector<1x2048xf32>, vector<1x2048xf32>, vector<1x2048xf32>, vector<1x2048xf32>, vector<1x2048xf32>, vector<1x2048xf32> -> vector<8x2048xf32>
    %get3A_142 = arith.constant 0 : index
    %get3A_143 = arith.constant 0 : index
    %get3A_144 = vector.load %arg4[%get3A_142, %get3A_143] : memref<8x32xf32, #tpu.memory_space<vmem>>, vector<8x32xf32>
    %dot_general3A = arith.constant dense<0.000000e+00> : vector<32x2048xf32>
    %dot_general3A_145 = tpu.matmul %get3A_144, %concatenate3A, %dot_general3A {dimension_numbers = #tpu.dot_dimension_numbers<[0], [0], [1], [1], [0, 1, 1, 1], [], []>, transpose_lhs_hint = false} : vector<8x32xf32>, vector<8x2048xf32>, vector<32x2048xf32> -> vector<32x2048xf32>
    %mul3A_146 = arith.constant 0.892857134 : f32
    %mul3A_147 = vector.broadcast %mul3A_146 : f32 to vector<32x2048xf32>
    %mul3A_148 = arith.mulf %dot_general3A_145, %mul3A_147 : vector<32x2048xf32>
    %neg3A_149 = arith.constant 0.000000e+00 : f32
    %neg3A_150 = vector.broadcast %neg3A_149 : f32 to vector<32x2048xf32>
    %neg3A_151 = arith.subf %neg3A_150, %mul3A_148 : vector<32x2048xf32>
    %exp3A_152 = math.exp %neg3A_151 : vector<32x2048xf32>
    %add3A_153 = arith.constant 1.000000e+00 : f32
    %add3A_154 = vector.broadcast %add3A_153 : f32 to vector<32x2048xf32>
    %add3A_155 = arith.addf %add3A_154, %exp3A_152 : vector<32x2048xf32>
    %div3A_156 = arith.divf %mul3A_148, %add3A_155 : vector<32x2048xf32>
    %mul3A_157 = arith.constant 1.67653251 : f32
    %mul3A_158 = vector.broadcast %mul3A_157 : f32 to vector<32x2048xf32>
    %mul3A_159 = arith.mulf %div3A_156, %mul3A_158 : vector<32x2048xf32>
    %get3A_160 = arith.constant 0 : index
    %get3A_161 = arith.constant 0 : index
    %get3A_162 = vector.load %arg5[%get3A_160, %get3A_161] : memref<32x17xf32, #tpu.memory_space<vmem>>, vector<32x17xf32>
    %dot_general3A_163 = arith.constant dense<0.000000e+00> : vector<17x2048xf32>
    %dot_general3A_164 = tpu.matmul %get3A_162, %mul3A_159, %dot_general3A_163 {dimension_numbers = #tpu.dot_dimension_numbers<[0], [0], [1], [1], [0, 1, 1, 1], [], []>, transpose_lhs_hint = false} : vector<32x17xf32>, vector<32x2048xf32>, vector<17x2048xf32> -> vector<17x2048xf32>
    %mul3A_165 = arith.constant 0.176776692 : f32
    %mul3A_166 = vector.broadcast %mul3A_165 : f32 to vector<17x2048xf32>
    %mul3A_167 = arith.mulf %dot_general3A_164, %mul3A_166 : vector<17x2048xf32>
    %slice3A = vector.extract_strided_slice %mul3A_167 {offsets = [0, 0], sizes = [1, 2048], strides = [1, 1]} : vector<17x2048xf32> to vector<1x2048xf32>
    %mul3A_168 = arith.constant 0.577350259 : f32
    %mul3A_169 = vector.broadcast %mul3A_168 : f32 to vector<1x2048xf32>
    %mul3A_170 = arith.mulf %slice3A, %mul3A_169 : vector<1x2048xf32>
    %get3A_171 = arith.constant 0 : index
    %get3A_172 = arith.constant 0 : index
    %get3A_173 = vector.load %arg2[%get3A_171, %get3A_172] : memref<16x2048xf32, #tpu.memory_space<vmem>>, vector<1x2048xf32>
    %mul3A_174 = arith.mulf %get3A_173, %broadcast_in_dim3A_20 : vector<1x2048xf32>
    %mul3A_175 = arith.constant 1.000000e+00 : f32
    %mul3A_176 = vector.broadcast %mul3A_175 : f32 to vector<1x2048xf32>
    %mul3A_177 = arith.mulf %mul3A_174, %mul3A_176 : vector<1x2048xf32>
    %mul3A_178 = arith.mulf %mul3A_170, %mul3A_177 : vector<1x2048xf32>
    %slice3A_179 = vector.extract_strided_slice %mul3A_167 {offsets = [1, 0], sizes = [1, 2048], strides = [1, 1]} : vector<17x2048xf32> to vector<1x2048xf32>
    %mul3A_180 = arith.constant 0.774596691 : f32
    %mul3A_181 = vector.broadcast %mul3A_180 : f32 to vector<1x2048xf32>
    %mul3A_182 = arith.mulf %slice3A_179, %mul3A_181 : vector<1x2048xf32>
    %get3A_183 = arith.constant 0 : index
    %get3A_184 = arith.constant 0 : index
    %get3A_185 = vector.load %arg2[%get3A_183, %get3A_184] : memref<16x2048xf32, #tpu.memory_space<vmem>>, vector<1x2048xf32>
    %mul3A_186 = arith.mulf %get3A_185, %mul3A_23 : vector<1x2048xf32>
    %mul3A_187 = arith.constant 0.577350259 : f32
    %mul3A_188 = vector.broadcast %mul3A_187 : f32 to vector<1x2048xf32>
    %mul3A_189 = arith.mulf %mul3A_186, %mul3A_188 : vector<1x2048xf32>
    %get3A_190 = arith.constant 0 : index
    %get3A_191 = arith.constant 0 : index
    %get3A_192 = vector.load %arg2[%get3A_190, %get3A_191] : memref<16x2048xf32, #tpu.memory_space<vmem>>, vector<1x2048xf32>
    %mul3A_193 = arith.mulf %get3A_192, %mul3A_26 : vector<1x2048xf32>
    %mul3A_194 = arith.constant 0.577350259 : f32
    %mul3A_195 = vector.broadcast %mul3A_194 : f32 to vector<1x2048xf32>
    %mul3A_196 = arith.mulf %mul3A_193, %mul3A_195 : vector<1x2048xf32>
    %get3A_197 = arith.constant 0 : index
    %get3A_198 = arith.constant 0 : index
    %get3A_199 = vector.load %arg2[%get3A_197, %get3A_198] : memref<16x2048xf32, #tpu.memory_space<vmem>>, vector<1x2048xf32>
    %mul3A_200 = arith.mulf %get3A_199, %mul3A_29 : vector<1x2048xf32>
    %mul3A_201 = arith.constant 0.577350259 : f32
    %mul3A_202 = vector.broadcast %mul3A_201 : f32 to vector<1x2048xf32>
    %mul3A_203 = arith.mulf %mul3A_200, %mul3A_202 : vector<1x2048xf32>
    %mul3A_204 = arith.mulf %mul3A_182, %mul3A_189 : vector<1x2048xf32>
    %mul3A_205 = arith.mulf %mul3A_182, %mul3A_196 : vector<1x2048xf32>
    %mul3A_206 = arith.mulf %mul3A_182, %mul3A_203 : vector<1x2048xf32>
    %slice3A_207 = vector.extract_strided_slice %mul3A_167 {offsets = [2, 0], sizes = [1, 2048], strides = [1, 1]} : vector<17x2048xf32> to vector<1x2048xf32>
    %mul3A_208 = arith.constant 1.000000e+00 : f32
    %mul3A_209 = vector.broadcast %mul3A_208 : f32 to vector<1x2048xf32>
    %mul3A_210 = arith.mulf %slice3A_207, %mul3A_209 : vector<1x2048xf32>
    %get3A_211 = arith.constant 0 : index
    %get3A_212 = arith.constant 0 : index
    %get3A_213 = vector.load %arg2[%get3A_211, %get3A_212] : memref<16x2048xf32, #tpu.memory_space<vmem>>, vector<1x2048xf32>
    %mul3A_214 = arith.mulf %get3A_213, %mul3A_33 : vector<1x2048xf32>
    %mul3A_215 = arith.constant 0.44721359 : f32
    %mul3A_216 = vector.broadcast %mul3A_215 : f32 to vector<1x2048xf32>
    %mul3A_217 = arith.mulf %mul3A_214, %mul3A_216 : vector<1x2048xf32>
    %get3A_218 = arith.constant 0 : index
    %get3A_219 = arith.constant 0 : index
    %get3A_220 = vector.load %arg2[%get3A_218, %get3A_219] : memref<16x2048xf32, #tpu.memory_space<vmem>>, vector<1x2048xf32>
    %mul3A_221 = arith.mulf %get3A_220, %mul3A_37 : vector<1x2048xf32>
    %mul3A_222 = arith.constant 0.44721359 : f32
    %mul3A_223 = vector.broadcast %mul3A_222 : f32 to vector<1x2048xf32>
    %mul3A_224 = arith.mulf %mul3A_221, %mul3A_223 : vector<1x2048xf32>
    %get3A_225 = arith.constant 0 : index
    %get3A_226 = arith.constant 0 : index
    %get3A_227 = vector.load %arg2[%get3A_225, %get3A_226] : memref<16x2048xf32, #tpu.memory_space<vmem>>, vector<1x2048xf32>
    %mul3A_228 = arith.mulf %get3A_227, %mul3A_46 : vector<1x2048xf32>
    %mul3A_229 = arith.constant 0.44721359 : f32
    %mul3A_230 = vector.broadcast %mul3A_229 : f32 to vector<1x2048xf32>
    %mul3A_231 = arith.mulf %mul3A_228, %mul3A_230 : vector<1x2048xf32>
    %get3A_232 = arith.constant 0 : index
    %get3A_233 = arith.constant 0 : index
    %get3A_234 = vector.load %arg2[%get3A_232, %get3A_233] : memref<16x2048xf32, #tpu.memory_space<vmem>>, vector<1x2048xf32>
    %mul3A_235 = arith.mulf %get3A_234, %mul3A_50 : vector<1x2048xf32>
    %mul3A_236 = arith.constant 0.44721359 : f32
    %mul3A_237 = vector.broadcast %mul3A_236 : f32 to vector<1x2048xf32>
    %mul3A_238 = arith.mulf %mul3A_235, %mul3A_237 : vector<1x2048xf32>
    %get3A_239 = arith.constant 0 : index
    %get3A_240 = arith.constant 0 : index
    %get3A_241 = vector.load %arg2[%get3A_239, %get3A_240] : memref<16x2048xf32, #tpu.memory_space<vmem>>, vector<1x2048xf32>
    %mul3A_242 = arith.mulf %get3A_241, %mul3A_56 : vector<1x2048xf32>
    %mul3A_243 = arith.constant 0.44721359 : f32
    %mul3A_244 = vector.broadcast %mul3A_243 : f32 to vector<1x2048xf32>
    %mul3A_245 = arith.mulf %mul3A_242, %mul3A_244 : vector<1x2048xf32>
    %mul3A_246 = arith.mulf %mul3A_210, %mul3A_217 : vector<1x2048xf32>
    %mul3A_247 = arith.mulf %mul3A_210, %mul3A_224 : vector<1x2048xf32>
    %mul3A_248 = arith.mulf %mul3A_210, %mul3A_231 : vector<1x2048xf32>
    %mul3A_249 = arith.mulf %mul3A_210, %mul3A_238 : vector<1x2048xf32>
    %mul3A_250 = arith.mulf %mul3A_210, %mul3A_245 : vector<1x2048xf32>
    %slice3A_251 = vector.extract_strided_slice %mul3A_167 {offsets = [3, 0], sizes = [1, 2048], strides = [1, 1]} : vector<17x2048xf32> to vector<1x2048xf32>
    %mul3A_252 = arith.constant 0.774596691 : f32
    %mul3A_253 = vector.broadcast %mul3A_252 : f32 to vector<1x2048xf32>
    %mul3A_254 = arith.mulf %slice3A_251, %mul3A_253 : vector<1x2048xf32>
    %get3A_255 = arith.constant 1 : index
    %get3A_256 = arith.constant 0 : index
    %get3A_257 = vector.load %arg2[%get3A_255, %get3A_256] : memref<16x2048xf32, #tpu.memory_space<vmem>>, vector<1x2048xf32>
    %mul3A_258 = arith.mulf %get3A_257, %broadcast_in_dim3A_20 : vector<1x2048xf32>
    %mul3A_259 = arith.constant 0.577350259 : f32
    %mul3A_260 = vector.broadcast %mul3A_259 : f32 to vector<1x2048xf32>
    %mul3A_261 = arith.mulf %mul3A_258, %mul3A_260 : vector<1x2048xf32>
    %get3A_262 = arith.constant 2 : index
    %get3A_263 = arith.constant 0 : index
    %get3A_264 = vector.load %arg2[%get3A_262, %get3A_263] : memref<16x2048xf32, #tpu.memory_space<vmem>>, vector<1x2048xf32>
    %mul3A_265 = arith.mulf %get3A_264, %broadcast_in_dim3A_20 : vector<1x2048xf32>
    %mul3A_266 = arith.constant 0.577350259 : f32
    %mul3A_267 = vector.broadcast %mul3A_266 : f32 to vector<1x2048xf32>
    %mul3A_268 = arith.mulf %mul3A_265, %mul3A_267 : vector<1x2048xf32>
    %get3A_269 = arith.constant 3 : index
    %get3A_270 = arith.constant 0 : index
    %get3A_271 = vector.load %arg2[%get3A_269, %get3A_270] : memref<16x2048xf32, #tpu.memory_space<vmem>>, vector<1x2048xf32>
    %mul3A_272 = arith.mulf %get3A_271, %broadcast_in_dim3A_20 : vector<1x2048xf32>
    %mul3A_273 = arith.constant 0.577350259 : f32
    %mul3A_274 = vector.broadcast %mul3A_273 : f32 to vector<1x2048xf32>
    %mul3A_275 = arith.mulf %mul3A_272, %mul3A_274 : vector<1x2048xf32>
    %mul3A_276 = arith.mulf %mul3A_254, %mul3A_261 : vector<1x2048xf32>
    %add3A_277 = arith.addf %mul3A_204, %mul3A_276 : vector<1x2048xf32>
    %mul3A_278 = arith.mulf %mul3A_254, %mul3A_268 : vector<1x2048xf32>
    %add3A_279 = arith.addf %mul3A_205, %mul3A_278 : vector<1x2048xf32>
    %mul3A_280 = arith.mulf %mul3A_254, %mul3A_275 : vector<1x2048xf32>
    %add3A_281 = arith.addf %mul3A_206, %mul3A_280 : vector<1x2048xf32>
    %slice3A_282 = vector.extract_strided_slice %mul3A_167 {offsets = [4, 0], sizes = [1, 2048], strides = [1, 1]} : vector<17x2048xf32> to vector<1x2048xf32>
    %mul3A_283 = arith.constant 0.577350259 : f32
    %mul3A_284 = vector.broadcast %mul3A_283 : f32 to vector<1x2048xf32>
    %mul3A_285 = arith.mulf %slice3A_282, %mul3A_284 : vector<1x2048xf32>
    %get3A_286 = arith.constant 1 : index
    %get3A_287 = arith.constant 0 : index
    %get3A_288 = vector.load %arg2[%get3A_286, %get3A_287] : memref<16x2048xf32, #tpu.memory_space<vmem>>, vector<1x2048xf32>
    %mul3A_289 = arith.mulf %get3A_288, %mul3A_23 : vector<1x2048xf32>
    %mul3A_290 = arith.constant 0.577350259 : f32
    %mul3A_291 = vector.broadcast %mul3A_290 : f32 to vector<1x2048xf32>
    %mul3A_292 = arith.mulf %mul3A_289, %mul3A_291 : vector<1x2048xf32>
    %get3A_293 = arith.constant 2 : index
    %get3A_294 = arith.constant 0 : index
    %get3A_295 = vector.load %arg2[%get3A_293, %get3A_294] : memref<16x2048xf32, #tpu.memory_space<vmem>>, vector<1x2048xf32>
    %mul3A_296 = arith.mulf %get3A_295, %mul3A_26 : vector<1x2048xf32>
    %mul3A_297 = arith.constant 0.577350259 : f32
    %mul3A_298 = vector.broadcast %mul3A_297 : f32 to vector<1x2048xf32>
    %mul3A_299 = arith.mulf %mul3A_296, %mul3A_298 : vector<1x2048xf32>
    %add3A_300 = arith.addf %mul3A_292, %mul3A_299 : vector<1x2048xf32>
    %get3A_301 = arith.constant 3 : index
    %get3A_302 = arith.constant 0 : index
    %get3A_303 = vector.load %arg2[%get3A_301, %get3A_302] : memref<16x2048xf32, #tpu.memory_space<vmem>>, vector<1x2048xf32>
    %mul3A_304 = arith.mulf %get3A_303, %mul3A_29 : vector<1x2048xf32>
    %mul3A_305 = arith.constant 0.577350259 : f32
    %mul3A_306 = vector.broadcast %mul3A_305 : f32 to vector<1x2048xf32>
    %mul3A_307 = arith.mulf %mul3A_304, %mul3A_306 : vector<1x2048xf32>
    %add3A_308 = arith.addf %add3A_300, %mul3A_307 : vector<1x2048xf32>
    %mul3A_309 = arith.mulf %mul3A_285, %add3A_308 : vector<1x2048xf32>
    %add3A_310 = arith.addf %mul3A_178, %mul3A_309 : vector<1x2048xf32>
    %slice3A_311 = vector.extract_strided_slice %mul3A_167 {offsets = [5, 0], sizes = [1, 2048], strides = [1, 1]} : vector<17x2048xf32> to vector<1x2048xf32>
    %mul3A_312 = arith.constant 1.000000e+00 : f32
    %mul3A_313 = vector.broadcast %mul3A_312 : f32 to vector<1x2048xf32>
    %mul3A_314 = arith.mulf %slice3A_311, %mul3A_313 : vector<1x2048xf32>
    %mul3A_315 = arith.constant -0.182574183 : f32
    %mul3A_316 = vector.broadcast %mul3A_315 : f32 to vector<1x2048xf32>
    %mul3A_317 = arith.mulf %mul3A_289, %mul3A_316 : vector<1x2048xf32>
    %mul3A_318 = arith.constant -0.316227764 : f32
    %mul3A_319 = vector.broadcast %mul3A_318 : f32 to vector<1x2048xf32>
    %mul3A_320 = arith.mulf %mul3A_289, %mul3A_319 : vector<1x2048xf32>
    %get3A_321 = arith.constant 1 : index
    %get3A_322 = arith.constant 0 : index
    %get3A_323 = vector.load %arg2[%get3A_321, %get3A_322] : memref<16x2048xf32, #tpu.memory_space<vmem>>, vector<1x2048xf32>
    %mul3A_324 = arith.mulf %get3A_323, %mul3A_26 : vector<1x2048xf32>
    %mul3A_325 = arith.constant 0.316227764 : f32
    %mul3A_326 = vector.broadcast %mul3A_325 : f32 to vector<1x2048xf32>
    %mul3A_327 = arith.mulf %mul3A_324, %mul3A_326 : vector<1x2048xf32>
    %get3A_328 = arith.constant 1 : index
    %get3A_329 = arith.constant 0 : index
    %get3A_330 = vector.load %arg2[%get3A_328, %get3A_329] : memref<16x2048xf32, #tpu.memory_space<vmem>>, vector<1x2048xf32>
    %mul3A_331 = arith.mulf %get3A_330, %mul3A_29 : vector<1x2048xf32>
    %mul3A_332 = arith.constant 0.316227764 : f32
    %mul3A_333 = vector.broadcast %mul3A_332 : f32 to vector<1x2048xf32>
    %mul3A_334 = arith.mulf %mul3A_331, %mul3A_333 : vector<1x2048xf32>
    %get3A_335 = arith.constant 2 : index
    %get3A_336 = arith.constant 0 : index
    %get3A_337 = vector.load %arg2[%get3A_335, %get3A_336] : memref<16x2048xf32, #tpu.memory_space<vmem>>, vector<1x2048xf32>
    %mul3A_338 = arith.mulf %get3A_337, %mul3A_23 : vector<1x2048xf32>
    %mul3A_339 = arith.constant 0.316227764 : f32
    %mul3A_340 = vector.broadcast %mul3A_339 : f32 to vector<1x2048xf32>
    %mul3A_341 = arith.mulf %mul3A_338, %mul3A_340 : vector<1x2048xf32>
    %add3A_342 = arith.addf %mul3A_327, %mul3A_341 : vector<1x2048xf32>
    %mul3A_343 = arith.constant 0.365148365 : f32
    %mul3A_344 = vector.broadcast %mul3A_343 : f32 to vector<1x2048xf32>
    %mul3A_345 = arith.mulf %mul3A_296, %mul3A_344 : vector<1x2048xf32>
    %add3A_346 = arith.addf %mul3A_317, %mul3A_345 : vector<1x2048xf32>
    %get3A_347 = arith.constant 2 : index
    %get3A_348 = arith.constant 0 : index
    %get3A_349 = vector.load %arg2[%get3A_347, %get3A_348] : memref<16x2048xf32, #tpu.memory_space<vmem>>, vector<1x2048xf32>
    %mul3A_350 = arith.mulf %get3A_349, %mul3A_29 : vector<1x2048xf32>
    %mul3A_351 = arith.constant 0.316227764 : f32
    %mul3A_352 = vector.broadcast %mul3A_351 : f32 to vector<1x2048xf32>
    %mul3A_353 = arith.mulf %mul3A_350, %mul3A_352 : vector<1x2048xf32>
    %get3A_354 = arith.constant 3 : index
    %get3A_355 = arith.constant 0 : index
    %get3A_356 = vector.load %arg2[%get3A_354, %get3A_355] : memref<16x2048xf32, #tpu.memory_space<vmem>>, vector<1x2048xf32>
    %mul3A_357 = arith.mulf %get3A_356, %mul3A_23 : vector<1x2048xf32>
    %mul3A_358 = arith.constant 0.316227764 : f32
    %mul3A_359 = vector.broadcast %mul3A_358 : f32 to vector<1x2048xf32>
    %mul3A_360 = arith.mulf %mul3A_357, %mul3A_359 : vector<1x2048xf32>
    %add3A_361 = arith.addf %mul3A_334, %mul3A_360 : vector<1x2048xf32>
    %get3A_362 = arith.constant 3 : index
    %get3A_363 = arith.constant 0 : index
    %get3A_364 = vector.load %arg2[%get3A_362, %get3A_363] : memref<16x2048xf32, #tpu.memory_space<vmem>>, vector<1x2048xf32>
    %mul3A_365 = arith.mulf %get3A_364, %mul3A_26 : vector<1x2048xf32>
    %mul3A_366 = arith.constant 0.316227764 : f32
    %mul3A_367 = vector.broadcast %mul3A_366 : f32 to vector<1x2048xf32>
    %mul3A_368 = arith.mulf %mul3A_365, %mul3A_367 : vector<1x2048xf32>
    %add3A_369 = arith.addf %mul3A_353, %mul3A_368 : vector<1x2048xf32>
    %mul3A_370 = arith.constant -0.182574183 : f32
    %mul3A_371 = vector.broadcast %mul3A_370 : f32 to vector<1x2048xf32>
    %mul3A_372 = arith.mulf %mul3A_304, %mul3A_371 : vector<1x2048xf32>
    %add3A_373 = arith.addf %add3A_346, %mul3A_372 : vector<1x2048xf32>
    %mul3A_374 = arith.constant 0.316227764 : f32
    %mul3A_375 = vector.broadcast %mul3A_374 : f32 to vector<1x2048xf32>
    %mul3A_376 = arith.mulf %mul3A_304, %mul3A_375 : vector<1x2048xf32>
    %add3A_377 = arith.addf %mul3A_320, %mul3A_376 : vector<1x2048xf32>
    %mul3A_378 = arith.mulf %mul3A_314, %add3A_373 : vector<1x2048xf32>
    %add3A_379 = arith.addf %mul3A_248, %mul3A_378 : vector<1x2048xf32>
    %mul3A_380 = arith.mulf %mul3A_314, %add3A_377 : vector<1x2048xf32>
    %add3A_381 = arith.addf %mul3A_250, %mul3A_380 : vector<1x2048xf32>
    %mul3A_382 = arith.mulf %mul3A_314, %add3A_342 : vector<1x2048xf32>
    %add3A_383 = arith.addf %mul3A_247, %mul3A_382 : vector<1x2048xf32>
    %mul3A_384 = arith.mulf %mul3A_314, %add3A_361 : vector<1x2048xf32>
    %add3A_385 = arith.addf %mul3A_246, %mul3A_384 : vector<1x2048xf32>
    %mul3A_386 = arith.mulf %mul3A_314, %add3A_369 : vector<1x2048xf32>
    %add3A_387 = arith.addf %mul3A_249, %mul3A_386 : vector<1x2048xf32>
    %slice3A_388 = vector.extract_strided_slice %mul3A_167 {offsets = [6, 0], sizes = [1, 2048], strides = [1, 1]} : vector<17x2048xf32> to vector<1x2048xf32>
    %mul3A_389 = arith.constant 0.774596691 : f32
    %mul3A_390 = vector.broadcast %mul3A_389 : f32 to vector<1x2048xf32>
    %mul3A_391 = arith.mulf %slice3A_388, %mul3A_390 : vector<1x2048xf32>
    %get3A_392 = arith.constant 1 : index
    %get3A_393 = arith.constant 0 : index
    %get3A_394 = vector.load %arg2[%get3A_392, %get3A_393] : memref<16x2048xf32, #tpu.memory_space<vmem>>, vector<1x2048xf32>
    %mul3A_395 = arith.mulf %get3A_394, %mul3A_33 : vector<1x2048xf32>
    %mul3A_396 = arith.constant 0.316227764 : f32
    %mul3A_397 = vector.broadcast %mul3A_396 : f32 to vector<1x2048xf32>
    %mul3A_398 = arith.mulf %mul3A_395, %mul3A_397 : vector<1x2048xf32>
    %get3A_399 = arith.constant 1 : index
    %get3A_400 = arith.constant 0 : index
    %get3A_401 = vector.load %arg2[%get3A_399, %get3A_400] : memref<16x2048xf32, #tpu.memory_space<vmem>>, vector<1x2048xf32>
    %mul3A_402 = arith.mulf %get3A_401, %mul3A_37 : vector<1x2048xf32>
    %mul3A_403 = arith.constant 0.316227764 : f32
    %mul3A_404 = vector.broadcast %mul3A_403 : f32 to vector<1x2048xf32>
    %mul3A_405 = arith.mulf %mul3A_402, %mul3A_404 : vector<1x2048xf32>
    %get3A_406 = arith.constant 1 : index
    %get3A_407 = arith.constant 0 : index
    %get3A_408 = vector.load %arg2[%get3A_406, %get3A_407] : memref<16x2048xf32, #tpu.memory_space<vmem>>, vector<1x2048xf32>
    %mul3A_409 = arith.mulf %get3A_408, %mul3A_46 : vector<1x2048xf32>
    %mul3A_410 = arith.constant -0.182574183 : f32
    %mul3A_411 = vector.broadcast %mul3A_410 : f32 to vector<1x2048xf32>
    %mul3A_412 = arith.mulf %mul3A_409, %mul3A_411 : vector<1x2048xf32>
    %get3A_413 = arith.constant 1 : index
    %get3A_414 = arith.constant 0 : index
    %get3A_415 = vector.load %arg2[%get3A_413, %get3A_414] : memref<16x2048xf32, #tpu.memory_space<vmem>>, vector<1x2048xf32>
    %mul3A_416 = arith.mulf %get3A_415, %mul3A_56 : vector<1x2048xf32>
    %mul3A_417 = arith.constant -0.316227764 : f32
    %mul3A_418 = vector.broadcast %mul3A_417 : f32 to vector<1x2048xf32>
    %mul3A_419 = arith.mulf %mul3A_416, %mul3A_418 : vector<1x2048xf32>
    %add3A_420 = arith.addf %mul3A_412, %mul3A_419 : vector<1x2048xf32>
    %get3A_421 = arith.constant 2 : index
    %get3A_422 = arith.constant 0 : index
    %get3A_423 = vector.load %arg2[%get3A_421, %get3A_422] : memref<16x2048xf32, #tpu.memory_space<vmem>>, vector<1x2048xf32>
    %mul3A_424 = arith.mulf %get3A_423, %mul3A_37 : vector<1x2048xf32>
    %mul3A_425 = arith.constant 0.316227764 : f32
    %mul3A_426 = vector.broadcast %mul3A_425 : f32 to vector<1x2048xf32>
    %mul3A_427 = arith.mulf %mul3A_424, %mul3A_426 : vector<1x2048xf32>
    %add3A_428 = arith.addf %add3A_420, %mul3A_427 : vector<1x2048xf32>
    %get3A_429 = arith.constant 2 : index
    %get3A_430 = arith.constant 0 : index
    %get3A_431 = vector.load %arg2[%get3A_429, %get3A_430] : memref<16x2048xf32, #tpu.memory_space<vmem>>, vector<1x2048xf32>
    %mul3A_432 = arith.mulf %get3A_431, %mul3A_46 : vector<1x2048xf32>
    %mul3A_433 = arith.constant 0.365148365 : f32
    %mul3A_434 = vector.broadcast %mul3A_433 : f32 to vector<1x2048xf32>
    %mul3A_435 = arith.mulf %mul3A_432, %mul3A_434 : vector<1x2048xf32>
    %add3A_436 = arith.addf %mul3A_405, %mul3A_435 : vector<1x2048xf32>
    %get3A_437 = arith.constant 2 : index
    %get3A_438 = arith.constant 0 : index
    %get3A_439 = vector.load %arg2[%get3A_437, %get3A_438] : memref<16x2048xf32, #tpu.memory_space<vmem>>, vector<1x2048xf32>
    %mul3A_440 = arith.mulf %get3A_439, %mul3A_50 : vector<1x2048xf32>
    %mul3A_441 = arith.constant 0.316227764 : f32
    %mul3A_442 = vector.broadcast %mul3A_441 : f32 to vector<1x2048xf32>
    %mul3A_443 = arith.mulf %mul3A_440, %mul3A_442 : vector<1x2048xf32>
    %add3A_444 = arith.addf %mul3A_398, %mul3A_443 : vector<1x2048xf32>
    %get3A_445 = arith.constant 3 : index
    %get3A_446 = arith.constant 0 : index
    %get3A_447 = vector.load %arg2[%get3A_445, %get3A_446] : memref<16x2048xf32, #tpu.memory_space<vmem>>, vector<1x2048xf32>
    %mul3A_448 = arith.mulf %get3A_447, %mul3A_33 : vector<1x2048xf32>
    %mul3A_449 = arith.constant 0.316227764 : f32
    %mul3A_450 = vector.broadcast %mul3A_449 : f32 to vector<1x2048xf32>
    %mul3A_451 = arith.mulf %mul3A_448, %mul3A_450 : vector<1x2048xf32>
    %add3A_452 = arith.addf %add3A_428, %mul3A_451 : vector<1x2048xf32>
    %get3A_453 = arith.constant 3 : index
    %get3A_454 = arith.constant 0 : index
    %get3A_455 = vector.load %arg2[%get3A_453, %get3A_454] : memref<16x2048xf32, #tpu.memory_space<vmem>>, vector<1x2048xf32>
    %mul3A_456 = arith.mulf %get3A_455, %mul3A_46 : vector<1x2048xf32>
    %mul3A_457 = arith.constant -0.182574183 : f32
    %mul3A_458 = vector.broadcast %mul3A_457 : f32 to vector<1x2048xf32>
    %mul3A_459 = arith.mulf %mul3A_456, %mul3A_458 : vector<1x2048xf32>
    %add3A_460 = arith.addf %add3A_444, %mul3A_459 : vector<1x2048xf32>
    %get3A_461 = arith.constant 3 : index
    %get3A_462 = arith.constant 0 : index
    %get3A_463 = vector.load %arg2[%get3A_461, %get3A_462] : memref<16x2048xf32, #tpu.memory_space<vmem>>, vector<1x2048xf32>
    %mul3A_464 = arith.mulf %get3A_463, %mul3A_50 : vector<1x2048xf32>
    %mul3A_465 = arith.constant 0.316227764 : f32
    %mul3A_466 = vector.broadcast %mul3A_465 : f32 to vector<1x2048xf32>
    %mul3A_467 = arith.mulf %mul3A_464, %mul3A_466 : vector<1x2048xf32>
    %add3A_468 = arith.addf %add3A_436, %mul3A_467 : vector<1x2048xf32>
    %get3A_469 = arith.constant 3 : index
    %get3A_470 = arith.constant 0 : index
    %get3A_471 = vector.load %arg2[%get3A_469, %get3A_470] : memref<16x2048xf32, #tpu.memory_space<vmem>>, vector<1x2048xf32>
    %mul3A_472 = arith.mulf %get3A_471, %mul3A_56 : vector<1x2048xf32>
    %mul3A_473 = arith.constant 0.316227764 : f32
    %mul3A_474 = vector.broadcast %mul3A_473 : f32 to vector<1x2048xf32>
    %mul3A_475 = arith.mulf %mul3A_472, %mul3A_474 : vector<1x2048xf32>
    %add3A_476 = arith.addf %add3A_460, %mul3A_475 : vector<1x2048xf32>
    %mul3A_477 = arith.mulf %mul3A_391, %add3A_476 : vector<1x2048xf32>
    %add3A_478 = arith.addf %add3A_281, %mul3A_477 : vector<1x2048xf32>
    %mul3A_479 = arith.mulf %mul3A_391, %add3A_468 : vector<1x2048xf32>
    %add3A_480 = arith.addf %add3A_279, %mul3A_479 : vector<1x2048xf32>
    %mul3A_481 = arith.mulf %mul3A_391, %add3A_452 : vector<1x2048xf32>
    %add3A_482 = arith.addf %add3A_277, %mul3A_481 : vector<1x2048xf32>
    %slice3A_483 = vector.extract_strided_slice %mul3A_167 {offsets = [7, 0], sizes = [1, 2048], strides = [1, 1]} : vector<17x2048xf32> to vector<1x2048xf32>
    %mul3A_484 = arith.constant 1.32287562 : f32
    %mul3A_485 = vector.broadcast %mul3A_484 : f32 to vector<1x2048xf32>
    %mul3A_486 = arith.mulf %slice3A_483, %mul3A_485 : vector<1x2048xf32>
    %mul3A_487 = arith.constant -0.0690065548 : f32
    %mul3A_488 = vector.broadcast %mul3A_487 : f32 to vector<1x2048xf32>
    %mul3A_489 = arith.mulf %mul3A_395, %mul3A_488 : vector<1x2048xf32>
    %mul3A_490 = arith.constant -0.267261237 : f32
    %mul3A_491 = vector.broadcast %mul3A_490 : f32 to vector<1x2048xf32>
    %mul3A_492 = arith.mulf %mul3A_395, %mul3A_491 : vector<1x2048xf32>
    %mul3A_493 = arith.constant -0.169030845 : f32
    %mul3A_494 = vector.broadcast %mul3A_493 : f32 to vector<1x2048xf32>
    %mul3A_495 = arith.mulf %mul3A_402, %mul3A_494 : vector<1x2048xf32>
    %mul3A_496 = arith.constant -0.218217894 : f32
    %mul3A_497 = vector.broadcast %mul3A_496 : f32 to vector<1x2048xf32>
    %mul3A_498 = arith.mulf %mul3A_402, %mul3A_497 : vector<1x2048xf32>
    %mul3A_499 = arith.constant 0.239045724 : f32
    %mul3A_500 = vector.broadcast %mul3A_499 : f32 to vector<1x2048xf32>
    %mul3A_501 = arith.mulf %mul3A_409, %mul3A_500 : vector<1x2048xf32>
    %get3A_502 = arith.constant 1 : index
    %get3A_503 = arith.constant 0 : index
    %get3A_504 = vector.load %arg2[%get3A_502, %get3A_503] : memref<16x2048xf32, #tpu.memory_space<vmem>>, vector<1x2048xf32>
    %mul3A_505 = arith.mulf %get3A_504, %mul3A_50 : vector<1x2048xf32>
    %mul3A_506 = arith.constant 0.218217894 : f32
    %mul3A_507 = vector.broadcast %mul3A_506 : f32 to vector<1x2048xf32>
    %mul3A_508 = arith.mulf %mul3A_505, %mul3A_507 : vector<1x2048xf32>
    %mul3A_509 = arith.constant 0.267261237 : f32
    %mul3A_510 = vector.broadcast %mul3A_509 : f32 to vector<1x2048xf32>
    %mul3A_511 = arith.mulf %mul3A_416, %mul3A_510 : vector<1x2048xf32>
    %mul3A_512 = arith.constant 0.0690065548 : f32
    %mul3A_513 = vector.broadcast %mul3A_512 : f32 to vector<1x2048xf32>
    %mul3A_514 = arith.mulf %mul3A_416, %mul3A_513 : vector<1x2048xf32>
    %add3A_515 = arith.addf %mul3A_501, %mul3A_514 : vector<1x2048xf32>
    %get3A_516 = arith.constant 2 : index
    %get3A_517 = arith.constant 0 : index
    %get3A_518 = vector.load %arg2[%get3A_516, %get3A_517] : memref<16x2048xf32, #tpu.memory_space<vmem>>, vector<1x2048xf32>
    %mul3A_519 = arith.mulf %get3A_518, %mul3A_33 : vector<1x2048xf32>
    %mul3A_520 = arith.constant 0.218217894 : f32
    %mul3A_521 = vector.broadcast %mul3A_520 : f32 to vector<1x2048xf32>
    %mul3A_522 = arith.mulf %mul3A_519, %mul3A_521 : vector<1x2048xf32>
    %add3A_523 = arith.addf %mul3A_508, %mul3A_522 : vector<1x2048xf32>
    %mul3A_524 = arith.constant 0.276026219 : f32
    %mul3A_525 = vector.broadcast %mul3A_524 : f32 to vector<1x2048xf32>
    %mul3A_526 = arith.mulf %mul3A_424, %mul3A_525 : vector<1x2048xf32>
    %add3A_527 = arith.addf %add3A_515, %mul3A_526 : vector<1x2048xf32>
    %mul3A_528 = arith.constant 0.292770028 : f32
    %mul3A_529 = vector.broadcast %mul3A_528 : f32 to vector<1x2048xf32>
    %mul3A_530 = arith.mulf %mul3A_432, %mul3A_529 : vector<1x2048xf32>
    %add3A_531 = arith.addf %mul3A_495, %mul3A_530 : vector<1x2048xf32>
    %mul3A_532 = arith.constant 0.276026219 : f32
    %mul3A_533 = vector.broadcast %mul3A_532 : f32 to vector<1x2048xf32>
    %mul3A_534 = arith.mulf %mul3A_440, %mul3A_533 : vector<1x2048xf32>
    %add3A_535 = arith.addf %mul3A_489, %mul3A_534 : vector<1x2048xf32>
    %get3A_536 = arith.constant 2 : index
    %get3A_537 = arith.constant 0 : index
    %get3A_538 = vector.load %arg2[%get3A_536, %get3A_537] : memref<16x2048xf32, #tpu.memory_space<vmem>>, vector<1x2048xf32>
    %mul3A_539 = arith.mulf %get3A_538, %mul3A_56 : vector<1x2048xf32>
    %mul3A_540 = arith.constant 0.218217894 : f32
    %mul3A_541 = vector.broadcast %mul3A_540 : f32 to vector<1x2048xf32>
    %mul3A_542 = arith.mulf %mul3A_539, %mul3A_541 : vector<1x2048xf32>
    %add3A_543 = arith.addf %mul3A_498, %mul3A_542 : vector<1x2048xf32>
    %mul3A_544 = arith.constant 0.267261237 : f32
    %mul3A_545 = vector.broadcast %mul3A_544 : f32 to vector<1x2048xf32>
    %mul3A_546 = arith.mulf %mul3A_448, %mul3A_545 : vector<1x2048xf32>
    %add3A_547 = arith.addf %mul3A_511, %mul3A_546 : vector<1x2048xf32>
    %mul3A_548 = arith.constant -0.0690065548 : f32
    %mul3A_549 = vector.broadcast %mul3A_548 : f32 to vector<1x2048xf32>
    %mul3A_550 = arith.mulf %mul3A_448, %mul3A_549 : vector<1x2048xf32>
    %add3A_551 = arith.addf %add3A_527, %mul3A_550 : vector<1x2048xf32>
    %get3A_552 = arith.constant 3 : index
    %get3A_553 = arith.constant 0 : index
    %get3A_554 = vector.load %arg2[%get3A_552, %get3A_553] : memref<16x2048xf32, #tpu.memory_space<vmem>>, vector<1x2048xf32>
    %mul3A_555 = arith.mulf %get3A_554, %mul3A_37 : vector<1x2048xf32>
    %mul3A_556 = arith.constant 0.218217894 : f32
    %mul3A_557 = vector.broadcast %mul3A_556 : f32 to vector<1x2048xf32>
    %mul3A_558 = arith.mulf %mul3A_555, %mul3A_557 : vector<1x2048xf32>
    %add3A_559 = arith.addf %add3A_523, %mul3A_558 : vector<1x2048xf32>
    %mul3A_560 = arith.constant 0.239045724 : f32
    %mul3A_561 = vector.broadcast %mul3A_560 : f32 to vector<1x2048xf32>
    %mul3A_562 = arith.mulf %mul3A_456, %mul3A_561 : vector<1x2048xf32>
    %add3A_563 = arith.addf %add3A_535, %mul3A_562 : vector<1x2048xf32>
    %mul3A_564 = arith.constant -0.169030845 : f32
    %mul3A_565 = vector.broadcast %mul3A_564 : f32 to vector<1x2048xf32>
    %mul3A_566 = arith.mulf %mul3A_464, %mul3A_565 : vector<1x2048xf32>
    %add3A_567 = arith.addf %add3A_531, %mul3A_566 : vector<1x2048xf32>
    %mul3A_568 = arith.constant 0.218217894 : f32
    %mul3A_569 = vector.broadcast %mul3A_568 : f32 to vector<1x2048xf32>
    %mul3A_570 = arith.mulf %mul3A_464, %mul3A_569 : vector<1x2048xf32>
    %add3A_571 = arith.addf %add3A_543, %mul3A_570 : vector<1x2048xf32>
    %mul3A_572 = arith.constant -0.0690065548 : f32
    %mul3A_573 = vector.broadcast %mul3A_572 : f32 to vector<1x2048xf32>
    %mul3A_574 = arith.mulf %mul3A_472, %mul3A_573 : vector<1x2048xf32>
    %add3A_575 = arith.addf %add3A_563, %mul3A_574 : vector<1x2048xf32>
    %mul3A_576 = arith.constant 0.267261237 : f32
    %mul3A_577 = vector.broadcast %mul3A_576 : f32 to vector<1x2048xf32>
    %mul3A_578 = arith.mulf %mul3A_472, %mul3A_577 : vector<1x2048xf32>
    %add3A_579 = arith.addf %mul3A_492, %mul3A_578 : vector<1x2048xf32>
    %mul3A_580 = arith.mulf %mul3A_486, %add3A_575 : vector<1x2048xf32>
    %mul3A_581 = arith.mulf %mul3A_486, %add3A_579 : vector<1x2048xf32>
    %mul3A_582 = arith.mulf %mul3A_486, %add3A_567 : vector<1x2048xf32>
    %mul3A_583 = arith.mulf %mul3A_486, %add3A_571 : vector<1x2048xf32>
    %mul3A_584 = arith.mulf %mul3A_486, %add3A_551 : vector<1x2048xf32>
    %mul3A_585 = arith.mulf %mul3A_486, %add3A_559 : vector<1x2048xf32>
    %mul3A_586 = arith.mulf %mul3A_486, %add3A_547 : vector<1x2048xf32>
    %slice3A_587 = vector.extract_strided_slice %mul3A_167 {offsets = [8, 0], sizes = [1, 2048], strides = [1, 1]} : vector<17x2048xf32> to vector<1x2048xf32>
    %mul3A_588 = arith.constant 1.000000e+00 : f32
    %mul3A_589 = vector.broadcast %mul3A_588 : f32 to vector<1x2048xf32>
    %mul3A_590 = arith.mulf %slice3A_587, %mul3A_589 : vector<1x2048xf32>
    %get3A_591 = arith.constant 4 : index
    %get3A_592 = arith.constant 0 : index
    %get3A_593 = vector.load %arg2[%get3A_591, %get3A_592] : memref<16x2048xf32, #tpu.memory_space<vmem>>, vector<1x2048xf32>
    %mul3A_594 = arith.mulf %get3A_593, %broadcast_in_dim3A_20 : vector<1x2048xf32>
    %mul3A_595 = arith.constant 0.44721359 : f32
    %mul3A_596 = vector.broadcast %mul3A_595 : f32 to vector<1x2048xf32>
    %mul3A_597 = arith.mulf %mul3A_594, %mul3A_596 : vector<1x2048xf32>
    %get3A_598 = arith.constant 5 : index
    %get3A_599 = arith.constant 0 : index
    %get3A_600 = vector.load %arg2[%get3A_598, %get3A_599] : memref<16x2048xf32, #tpu.memory_space<vmem>>, vector<1x2048xf32>
    %mul3A_601 = arith.mulf %get3A_600, %broadcast_in_dim3A_20 : vector<1x2048xf32>
    %mul3A_602 = arith.constant 0.44721359 : f32
    %mul3A_603 = vector.broadcast %mul3A_602 : f32 to vector<1x2048xf32>
    %mul3A_604 = arith.mulf %mul3A_601, %mul3A_603 : vector<1x2048xf32>
    %get3A_605 = arith.constant 6 : index
    %get3A_606 = arith.constant 0 : index
    %get3A_607 = vector.load %arg2[%get3A_605, %get3A_606] : memref<16x2048xf32, #tpu.memory_space<vmem>>, vector<1x2048xf32>
    %mul3A_608 = arith.mulf %get3A_607, %broadcast_in_dim3A_20 : vector<1x2048xf32>
    %mul3A_609 = arith.constant 0.44721359 : f32
    %mul3A_610 = vector.broadcast %mul3A_609 : f32 to vector<1x2048xf32>
    %mul3A_611 = arith.mulf %mul3A_608, %mul3A_610 : vector<1x2048xf32>
    %get3A_612 = arith.constant 7 : index
    %get3A_613 = arith.constant 0 : index
    %get3A_614 = vector.load %arg2[%get3A_612, %get3A_613] : memref<16x2048xf32, #tpu.memory_space<vmem>>, vector<1x2048xf32>
    %mul3A_615 = arith.mulf %get3A_614, %broadcast_in_dim3A_20 : vector<1x2048xf32>
    %mul3A_616 = arith.constant 0.44721359 : f32
    %mul3A_617 = vector.broadcast %mul3A_616 : f32 to vector<1x2048xf32>
    %mul3A_618 = arith.mulf %mul3A_615, %mul3A_617 : vector<1x2048xf32>
    %get3A_619 = arith.constant 8 : index
    %get3A_620 = arith.constant 0 : index
    %get3A_621 = vector.load %arg2[%get3A_619, %get3A_620] : memref<16x2048xf32, #tpu.memory_space<vmem>>, vector<1x2048xf32>
    %mul3A_622 = arith.mulf %get3A_621, %broadcast_in_dim3A_20 : vector<1x2048xf32>
    %mul3A_623 = arith.constant 0.44721359 : f32
    %mul3A_624 = vector.broadcast %mul3A_623 : f32 to vector<1x2048xf32>
    %mul3A_625 = arith.mulf %mul3A_622, %mul3A_624 : vector<1x2048xf32>
    %mul3A_626 = arith.mulf %mul3A_590, %mul3A_597 : vector<1x2048xf32>
    %add3A_627 = arith.addf %add3A_385, %mul3A_626 : vector<1x2048xf32>
    %mul3A_628 = arith.mulf %mul3A_590, %mul3A_604 : vector<1x2048xf32>
    %add3A_629 = arith.addf %add3A_383, %mul3A_628 : vector<1x2048xf32>
    %mul3A_630 = arith.mulf %mul3A_590, %mul3A_611 : vector<1x2048xf32>
    %add3A_631 = arith.addf %add3A_379, %mul3A_630 : vector<1x2048xf32>
    %mul3A_632 = arith.mulf %mul3A_590, %mul3A_618 : vector<1x2048xf32>
    %add3A_633 = arith.addf %add3A_387, %mul3A_632 : vector<1x2048xf32>
    %mul3A_634 = arith.mulf %mul3A_590, %mul3A_625 : vector<1x2048xf32>
    %add3A_635 = arith.addf %add3A_381, %mul3A_634 : vector<1x2048xf32>
    %slice3A_636 = vector.extract_strided_slice %mul3A_167 {offsets = [9, 0], sizes = [1, 2048], strides = [1, 1]} : vector<17x2048xf32> to vector<1x2048xf32>
    %mul3A_637 = arith.constant 0.774596691 : f32
    %mul3A_638 = vector.broadcast %mul3A_637 : f32 to vector<1x2048xf32>
    %mul3A_639 = arith.mulf %slice3A_636, %mul3A_638 : vector<1x2048xf32>
    %get3A_640 = arith.constant 4 : index
    %get3A_641 = arith.constant 0 : index
    %get3A_642 = vector.load %arg2[%get3A_640, %get3A_641] : memref<16x2048xf32, #tpu.memory_space<vmem>>, vector<1x2048xf32>
    %mul3A_643 = arith.mulf %get3A_642, %mul3A_23 : vector<1x2048xf32>
    %mul3A_644 = arith.constant 0.316227764 : f32
    %mul3A_645 = vector.broadcast %mul3A_644 : f32 to vector<1x2048xf32>
    %mul3A_646 = arith.mulf %mul3A_643, %mul3A_645 : vector<1x2048xf32>
    %get3A_647 = arith.constant 4 : index
    %get3A_648 = arith.constant 0 : index
    %get3A_649 = vector.load %arg2[%get3A_647, %get3A_648] : memref<16x2048xf32, #tpu.memory_space<vmem>>, vector<1x2048xf32>
    %mul3A_650 = arith.mulf %get3A_649, %mul3A_29 : vector<1x2048xf32>
    %mul3A_651 = arith.constant 0.316227764 : f32
    %mul3A_652 = vector.broadcast %mul3A_651 : f32 to vector<1x2048xf32>
    %mul3A_653 = arith.mulf %mul3A_650, %mul3A_652 : vector<1x2048xf32>
    %get3A_654 = arith.constant 5 : index
    %get3A_655 = arith.constant 0 : index
    %get3A_656 = vector.load %arg2[%get3A_654, %get3A_655] : memref<16x2048xf32, #tpu.memory_space<vmem>>, vector<1x2048xf32>
    %mul3A_657 = arith.mulf %get3A_656, %mul3A_23 : vector<1x2048xf32>
    %mul3A_658 = arith.constant 0.316227764 : f32
    %mul3A_659 = vector.broadcast %mul3A_658 : f32 to vector<1x2048xf32>
    %mul3A_660 = arith.mulf %mul3A_657, %mul3A_659 : vector<1x2048xf32>
    %get3A_661 = arith.constant 5 : index
    %get3A_662 = arith.constant 0 : index
    %get3A_663 = vector.load %arg2[%get3A_661, %get3A_662] : memref<16x2048xf32, #tpu.memory_space<vmem>>, vector<1x2048xf32>
    %mul3A_664 = arith.mulf %get3A_663, %mul3A_26 : vector<1x2048xf32>
    %mul3A_665 = arith.constant 0.316227764 : f32
    %mul3A_666 = vector.broadcast %mul3A_665 : f32 to vector<1x2048xf32>
    %mul3A_667 = arith.mulf %mul3A_664, %mul3A_666 : vector<1x2048xf32>
    %add3A_668 = arith.addf %mul3A_653, %mul3A_667 : vector<1x2048xf32>
    %get3A_669 = arith.constant 6 : index
    %get3A_670 = arith.constant 0 : index
    %get3A_671 = vector.load %arg2[%get3A_669, %get3A_670] : memref<16x2048xf32, #tpu.memory_space<vmem>>, vector<1x2048xf32>
    %mul3A_672 = arith.mulf %get3A_671, %mul3A_23 : vector<1x2048xf32>
    %mul3A_673 = arith.constant -0.182574183 : f32
    %mul3A_674 = vector.broadcast %mul3A_673 : f32 to vector<1x2048xf32>
    %mul3A_675 = arith.mulf %mul3A_672, %mul3A_674 : vector<1x2048xf32>
    %add3A_676 = arith.addf %add3A_668, %mul3A_675 : vector<1x2048xf32>
    %get3A_677 = arith.constant 6 : index
    %get3A_678 = arith.constant 0 : index
    %get3A_679 = vector.load %arg2[%get3A_677, %get3A_678] : memref<16x2048xf32, #tpu.memory_space<vmem>>, vector<1x2048xf32>
    %mul3A_680 = arith.mulf %get3A_679, %mul3A_26 : vector<1x2048xf32>
    %mul3A_681 = arith.constant 0.365148365 : f32
    %mul3A_682 = vector.broadcast %mul3A_681 : f32 to vector<1x2048xf32>
    %mul3A_683 = arith.mulf %mul3A_680, %mul3A_682 : vector<1x2048xf32>
    %add3A_684 = arith.addf %mul3A_660, %mul3A_683 : vector<1x2048xf32>
    %get3A_685 = arith.constant 6 : index
    %get3A_686 = arith.constant 0 : index
    %get3A_687 = vector.load %arg2[%get3A_685, %get3A_686] : memref<16x2048xf32, #tpu.memory_space<vmem>>, vector<1x2048xf32>
    %mul3A_688 = arith.mulf %get3A_687, %mul3A_29 : vector<1x2048xf32>
    %mul3A_689 = arith.constant -0.182574183 : f32
    %mul3A_690 = vector.broadcast %mul3A_689 : f32 to vector<1x2048xf32>
    %mul3A_691 = arith.mulf %mul3A_688, %mul3A_690 : vector<1x2048xf32>
    %add3A_692 = arith.addf %mul3A_646, %mul3A_691 : vector<1x2048xf32>
    %get3A_693 = arith.constant 7 : index
    %get3A_694 = arith.constant 0 : index
    %get3A_695 = vector.load %arg2[%get3A_693, %get3A_694] : memref<16x2048xf32, #tpu.memory_space<vmem>>, vector<1x2048xf32>
    %mul3A_696 = arith.mulf %get3A_695, %mul3A_26 : vector<1x2048xf32>
    %mul3A_697 = arith.constant 0.316227764 : f32
    %mul3A_698 = vector.broadcast %mul3A_697 : f32 to vector<1x2048xf32>
    %mul3A_699 = arith.mulf %mul3A_696, %mul3A_698 : vector<1x2048xf32>
    %add3A_700 = arith.addf %add3A_692, %mul3A_699 : vector<1x2048xf32>
    %get3A_701 = arith.constant 7 : index
    %get3A_702 = arith.constant 0 : index
    %get3A_703 = vector.load %arg2[%get3A_701, %get3A_702] : memref<16x2048xf32, #tpu.memory_space<vmem>>, vector<1x2048xf32>
    %mul3A_704 = arith.mulf %get3A_703, %mul3A_29 : vector<1x2048xf32>
    %mul3A_705 = arith.constant 0.316227764 : f32
    %mul3A_706 = vector.broadcast %mul3A_705 : f32 to vector<1x2048xf32>
    %mul3A_707 = arith.mulf %mul3A_704, %mul3A_706 : vector<1x2048xf32>
    %add3A_708 = arith.addf %add3A_684, %mul3A_707 : vector<1x2048xf32>
    %get3A_709 = arith.constant 8 : index
    %get3A_710 = arith.constant 0 : index
    %get3A_711 = vector.load %arg2[%get3A_709, %get3A_710] : memref<16x2048xf32, #tpu.memory_space<vmem>>, vector<1x2048xf32>
    %mul3A_712 = arith.mulf %get3A_711, %mul3A_23 : vector<1x2048xf32>
    %mul3A_713 = arith.constant -0.316227764 : f32
    %mul3A_714 = vector.broadcast %mul3A_713 : f32 to vector<1x2048xf32>
    %mul3A_715 = arith.mulf %mul3A_712, %mul3A_714 : vector<1x2048xf32>
    %add3A_716 = arith.addf %add3A_676, %mul3A_715 : vector<1x2048xf32>
    %get3A_717 = arith.constant 8 : index
    %get3A_718 = arith.constant 0 : index
    %get3A_719 = vector.load %arg2[%get3A_717, %get3A_718] : memref<16x2048xf32, #tpu.memory_space<vmem>>, vector<1x2048xf32>
    %mul3A_720 = arith.mulf %get3A_719, %mul3A_29 : vector<1x2048xf32>
    %mul3A_721 = arith.constant 0.316227764 : f32
    %mul3A_722 = vector.broadcast %mul3A_721 : f32 to vector<1x2048xf32>
    %mul3A_723 = arith.mulf %mul3A_720, %mul3A_722 : vector<1x2048xf32>
    %add3A_724 = arith.addf %add3A_700, %mul3A_723 : vector<1x2048xf32>
    %mul3A_725 = arith.mulf %mul3A_639, %add3A_724 : vector<1x2048xf32>
    %add3A_726 = arith.addf %add3A_478, %mul3A_725 : vector<1x2048xf32>
    %mul3A_727 = arith.mulf %mul3A_639, %add3A_716 : vector<1x2048xf32>
    %add3A_728 = arith.addf %add3A_482, %mul3A_727 : vector<1x2048xf32>
    %mul3A_729 = arith.mulf %mul3A_639, %add3A_708 : vector<1x2048xf32>
    %add3A_730 = arith.addf %add3A_480, %mul3A_729 : vector<1x2048xf32>
    %slice3A_731 = vector.extract_strided_slice %mul3A_167 {offsets = [10, 0], sizes = [1, 2048], strides = [1, 1]} : vector<17x2048xf32> to vector<1x2048xf32>
    %mul3A_732 = arith.constant 1.32287562 : f32
    %mul3A_733 = vector.broadcast %mul3A_732 : f32 to vector<1x2048xf32>
    %mul3A_734 = arith.mulf %slice3A_731, %mul3A_733 : vector<1x2048xf32>
    %mul3A_735 = arith.constant -0.0690065548 : f32
    %mul3A_736 = vector.broadcast %mul3A_735 : f32 to vector<1x2048xf32>
    %mul3A_737 = arith.mulf %mul3A_643, %mul3A_736 : vector<1x2048xf32>
    %mul3A_738 = arith.constant -0.267261237 : f32
    %mul3A_739 = vector.broadcast %mul3A_738 : f32 to vector<1x2048xf32>
    %mul3A_740 = arith.mulf %mul3A_643, %mul3A_739 : vector<1x2048xf32>
    %get3A_741 = arith.constant 4 : index
    %get3A_742 = arith.constant 0 : index
    %get3A_743 = vector.load %arg2[%get3A_741, %get3A_742] : memref<16x2048xf32, #tpu.memory_space<vmem>>, vector<1x2048xf32>
    %mul3A_744 = arith.mulf %get3A_743, %mul3A_26 : vector<1x2048xf32>
    %mul3A_745 = arith.constant 0.218217894 : f32
    %mul3A_746 = vector.broadcast %mul3A_745 : f32 to vector<1x2048xf32>
    %mul3A_747 = arith.mulf %mul3A_744, %mul3A_746 : vector<1x2048xf32>
    %mul3A_748 = arith.constant 0.267261237 : f32
    %mul3A_749 = vector.broadcast %mul3A_748 : f32 to vector<1x2048xf32>
    %mul3A_750 = arith.mulf %mul3A_650, %mul3A_749 : vector<1x2048xf32>
    %mul3A_751 = arith.constant -0.0690065548 : f32
    %mul3A_752 = vector.broadcast %mul3A_751 : f32 to vector<1x2048xf32>
    %mul3A_753 = arith.mulf %mul3A_650, %mul3A_752 : vector<1x2048xf32>
    %mul3A_754 = arith.constant -0.169030845 : f32
    %mul3A_755 = vector.broadcast %mul3A_754 : f32 to vector<1x2048xf32>
    %mul3A_756 = arith.mulf %mul3A_657, %mul3A_755 : vector<1x2048xf32>
    %mul3A_757 = arith.constant -0.218217894 : f32
    %mul3A_758 = vector.broadcast %mul3A_757 : f32 to vector<1x2048xf32>
    %mul3A_759 = arith.mulf %mul3A_657, %mul3A_758 : vector<1x2048xf32>
    %mul3A_760 = arith.constant 0.276026219 : f32
    %mul3A_761 = vector.broadcast %mul3A_760 : f32 to vector<1x2048xf32>
    %mul3A_762 = arith.mulf %mul3A_664, %mul3A_761 : vector<1x2048xf32>
    %add3A_763 = arith.addf %mul3A_753, %mul3A_762 : vector<1x2048xf32>
    %get3A_764 = arith.constant 5 : index
    %get3A_765 = arith.constant 0 : index
    %get3A_766 = vector.load %arg2[%get3A_764, %get3A_765] : memref<16x2048xf32, #tpu.memory_space<vmem>>, vector<1x2048xf32>
    %mul3A_767 = arith.mulf %get3A_766, %mul3A_29 : vector<1x2048xf32>
    %mul3A_768 = arith.constant 0.218217894 : f32
    %mul3A_769 = vector.broadcast %mul3A_768 : f32 to vector<1x2048xf32>
    %mul3A_770 = arith.mulf %mul3A_767, %mul3A_769 : vector<1x2048xf32>
    %add3A_771 = arith.addf %mul3A_747, %mul3A_770 : vector<1x2048xf32>
    %mul3A_772 = arith.constant 0.239045724 : f32
    %mul3A_773 = vector.broadcast %mul3A_772 : f32 to vector<1x2048xf32>
    %mul3A_774 = arith.mulf %mul3A_672, %mul3A_773 : vector<1x2048xf32>
    %add3A_775 = arith.addf %add3A_763, %mul3A_774 : vector<1x2048xf32>
    %mul3A_776 = arith.constant 0.292770028 : f32
    %mul3A_777 = vector.broadcast %mul3A_776 : f32 to vector<1x2048xf32>
    %mul3A_778 = arith.mulf %mul3A_680, %mul3A_777 : vector<1x2048xf32>
    %add3A_779 = arith.addf %mul3A_756, %mul3A_778 : vector<1x2048xf32>
    %mul3A_780 = arith.constant 0.239045724 : f32
    %mul3A_781 = vector.broadcast %mul3A_780 : f32 to vector<1x2048xf32>
    %mul3A_782 = arith.mulf %mul3A_688, %mul3A_781 : vector<1x2048xf32>
    %add3A_783 = arith.addf %mul3A_737, %mul3A_782 : vector<1x2048xf32>
    %get3A_784 = arith.constant 7 : index
    %get3A_785 = arith.constant 0 : index
    %get3A_786 = vector.load %arg2[%get3A_784, %get3A_785] : memref<16x2048xf32, #tpu.memory_space<vmem>>, vector<1x2048xf32>
    %mul3A_787 = arith.mulf %get3A_786, %mul3A_23 : vector<1x2048xf32>
    %mul3A_788 = arith.constant 0.218217894 : f32
    %mul3A_789 = vector.broadcast %mul3A_788 : f32 to vector<1x2048xf32>
    %mul3A_790 = arith.mulf %mul3A_787, %mul3A_789 : vector<1x2048xf32>
    %add3A_791 = arith.addf %add3A_771, %mul3A_790 : vector<1x2048xf32>
    %mul3A_792 = arith.constant 0.276026219 : f32
    %mul3A_793 = vector.broadcast %mul3A_792 : f32 to vector<1x2048xf32>
    %mul3A_794 = arith.mulf %mul3A_696, %mul3A_793 : vector<1x2048xf32>
    %add3A_795 = arith.addf %add3A_783, %mul3A_794 : vector<1x2048xf32>
    %mul3A_796 = arith.constant -0.169030845 : f32
    %mul3A_797 = vector.broadcast %mul3A_796 : f32 to vector<1x2048xf32>
    %mul3A_798 = arith.mulf %mul3A_704, %mul3A_797 : vector<1x2048xf32>
    %add3A_799 = arith.addf %add3A_779, %mul3A_798 : vector<1x2048xf32>
    %mul3A_800 = arith.constant 0.218217894 : f32
    %mul3A_801 = vector.broadcast %mul3A_800 : f32 to vector<1x2048xf32>
    %mul3A_802 = arith.mulf %mul3A_704, %mul3A_801 : vector<1x2048xf32>
    %add3A_803 = arith.addf %mul3A_759, %mul3A_802 : vector<1x2048xf32>
    %mul3A_804 = arith.constant 0.267261237 : f32
    %mul3A_805 = vector.broadcast %mul3A_804 : f32 to vector<1x2048xf32>
    %mul3A_806 = arith.mulf %mul3A_712, %mul3A_805 : vector<1x2048xf32>
    %add3A_807 = arith.addf %mul3A_750, %mul3A_806 : vector<1x2048xf32>
    %mul3A_808 = arith.constant 0.0690065548 : f32
    %mul3A_809 = vector.broadcast %mul3A_808 : f32 to vector<1x2048xf32>
    %mul3A_810 = arith.mulf %mul3A_712, %mul3A_809 : vector<1x2048xf32>
    %add3A_811 = arith.addf %add3A_775, %mul3A_810 : vector<1x2048xf32>
    %get3A_812 = arith.constant 8 : index
    %get3A_813 = arith.constant 0 : index
    %get3A_814 = vector.load %arg2[%get3A_812, %get3A_813] : memref<16x2048xf32, #tpu.memory_space<vmem>>, vector<1x2048xf32>
    %mul3A_815 = arith.mulf %get3A_814, %mul3A_26 : vector<1x2048xf32>
    %mul3A_816 = arith.constant 0.218217894 : f32
    %mul3A_817 = vector.broadcast %mul3A_816 : f32 to vector<1x2048xf32>
    %mul3A_818 = arith.mulf %mul3A_815, %mul3A_817 : vector<1x2048xf32>
    %add3A_819 = arith.addf %add3A_803, %mul3A_818 : vector<1x2048xf32>
    %mul3A_820 = arith.constant -0.0690065548 : f32
    %mul3A_821 = vector.broadcast %mul3A_820 : f32 to vector<1x2048xf32>
    %mul3A_822 = arith.mulf %mul3A_720, %mul3A_821 : vector<1x2048xf32>
    %add3A_823 = arith.addf %add3A_795, %mul3A_822 : vector<1x2048xf32>
    %mul3A_824 = arith.constant 0.267261237 : f32
    %mul3A_825 = vector.broadcast %mul3A_824 : f32 to vector<1x2048xf32>
    %mul3A_826 = arith.mulf %mul3A_720, %mul3A_825 : vector<1x2048xf32>
    %add3A_827 = arith.addf %mul3A_740, %mul3A_826 : vector<1x2048xf32>
    %mul3A_828 = arith.mulf %mul3A_734, %add3A_823 : vector<1x2048xf32>
    %add3A_829 = arith.addf %mul3A_580, %mul3A_828 : vector<1x2048xf32>
    %mul3A_830 = arith.mulf %mul3A_734, %add3A_827 : vector<1x2048xf32>
    %add3A_831 = arith.addf %mul3A_581, %mul3A_830 : vector<1x2048xf32>
    %mul3A_832 = arith.mulf %mul3A_734, %add3A_791 : vector<1x2048xf32>
    %add3A_833 = arith.addf %mul3A_585, %mul3A_832 : vector<1x2048xf32>
    %mul3A_834 = arith.mulf %mul3A_734, %add3A_807 : vector<1x2048xf32>
    %add3A_835 = arith.addf %mul3A_586, %mul3A_834 : vector<1x2048xf32>
    %mul3A_836 = arith.mulf %mul3A_734, %add3A_811 : vector<1x2048xf32>
    %add3A_837 = arith.addf %mul3A_584, %mul3A_836 : vector<1x2048xf32>
    %mul3A_838 = arith.mulf %mul3A_734, %add3A_799 : vector<1x2048xf32>
    %add3A_839 = arith.addf %mul3A_582, %mul3A_838 : vector<1x2048xf32>
    %mul3A_840 = arith.mulf %mul3A_734, %add3A_819 : vector<1x2048xf32>
    %add3A_841 = arith.addf %mul3A_583, %mul3A_840 : vector<1x2048xf32>
    %slice3A_842 = vector.extract_strided_slice %mul3A_167 {offsets = [11, 0], sizes = [1, 2048], strides = [1, 1]} : vector<17x2048xf32> to vector<1x2048xf32>
    %mul3A_843 = arith.constant 0.577350259 : f32
    %mul3A_844 = vector.broadcast %mul3A_843 : f32 to vector<1x2048xf32>
    %mul3A_845 = arith.mulf %slice3A_842, %mul3A_844 : vector<1x2048xf32>
    %get3A_846 = arith.constant 4 : index
    %get3A_847 = arith.constant 0 : index
    %get3A_848 = vector.load %arg2[%get3A_846, %get3A_847] : memref<16x2048xf32, #tpu.memory_space<vmem>>, vector<1x2048xf32>
    %mul3A_849 = arith.mulf %get3A_848, %mul3A_33 : vector<1x2048xf32>
    %mul3A_850 = arith.constant 0.44721359 : f32
    %mul3A_851 = vector.broadcast %mul3A_850 : f32 to vector<1x2048xf32>
    %mul3A_852 = arith.mulf %mul3A_849, %mul3A_851 : vector<1x2048xf32>
    %get3A_853 = arith.constant 5 : index
    %get3A_854 = arith.constant 0 : index
    %get3A_855 = vector.load %arg2[%get3A_853, %get3A_854] : memref<16x2048xf32, #tpu.memory_space<vmem>>, vector<1x2048xf32>
    %mul3A_856 = arith.mulf %get3A_855, %mul3A_37 : vector<1x2048xf32>
    %mul3A_857 = arith.constant 0.44721359 : f32
    %mul3A_858 = vector.broadcast %mul3A_857 : f32 to vector<1x2048xf32>
    %mul3A_859 = arith.mulf %mul3A_856, %mul3A_858 : vector<1x2048xf32>
    %add3A_860 = arith.addf %mul3A_852, %mul3A_859 : vector<1x2048xf32>
    %get3A_861 = arith.constant 6 : index
    %get3A_862 = arith.constant 0 : index
    %get3A_863 = vector.load %arg2[%get3A_861, %get3A_862] : memref<16x2048xf32, #tpu.memory_space<vmem>>, vector<1x2048xf32>
    %mul3A_864 = arith.mulf %get3A_863, %mul3A_46 : vector<1x2048xf32>
    %mul3A_865 = arith.constant 0.44721359 : f32
    %mul3A_866 = vector.broadcast %mul3A_865 : f32 to vector<1x2048xf32>
    %mul3A_867 = arith.mulf %mul3A_864, %mul3A_866 : vector<1x2048xf32>
    %add3A_868 = arith.addf %add3A_860, %mul3A_867 : vector<1x2048xf32>
    %get3A_869 = arith.constant 7 : index
    %get3A_870 = arith.constant 0 : index
    %get3A_871 = vector.load %arg2[%get3A_869, %get3A_870] : memref<16x2048xf32, #tpu.memory_space<vmem>>, vector<1x2048xf32>
    %mul3A_872 = arith.mulf %get3A_871, %mul3A_50 : vector<1x2048xf32>
    %mul3A_873 = arith.constant 0.44721359 : f32
    %mul3A_874 = vector.broadcast %mul3A_873 : f32 to vector<1x2048xf32>
    %mul3A_875 = arith.mulf %mul3A_872, %mul3A_874 : vector<1x2048xf32>
    %add3A_876 = arith.addf %add3A_868, %mul3A_875 : vector<1x2048xf32>
    %get3A_877 = arith.constant 8 : index
    %get3A_878 = arith.constant 0 : index
    %get3A_879 = vector.load %arg2[%get3A_877, %get3A_878] : memref<16x2048xf32, #tpu.memory_space<vmem>>, vector<1x2048xf32>
    %mul3A_880 = arith.mulf %get3A_879, %mul3A_56 : vector<1x2048xf32>
    %mul3A_881 = arith.constant 0.44721359 : f32
    %mul3A_882 = vector.broadcast %mul3A_881 : f32 to vector<1x2048xf32>
    %mul3A_883 = arith.mulf %mul3A_880, %mul3A_882 : vector<1x2048xf32>
    %add3A_884 = arith.addf %add3A_876, %mul3A_883 : vector<1x2048xf32>
    %mul3A_885 = arith.mulf %mul3A_845, %add3A_884 : vector<1x2048xf32>
    %add3A_886 = arith.addf %add3A_310, %mul3A_885 : vector<1x2048xf32>
    %slice3A_887 = vector.extract_strided_slice %mul3A_167 {offsets = [12, 0], sizes = [1, 2048], strides = [1, 1]} : vector<17x2048xf32> to vector<1x2048xf32>
    %mul3A_888 = arith.constant 1.000000e+00 : f32
    %mul3A_889 = vector.broadcast %mul3A_888 : f32 to vector<1x2048xf32>
    %mul3A_890 = arith.mulf %slice3A_887, %mul3A_889 : vector<1x2048xf32>
    %mul3A_891 = arith.constant 0.239045724 : f32
    %mul3A_892 = vector.broadcast %mul3A_891 : f32 to vector<1x2048xf32>
    %mul3A_893 = arith.mulf %mul3A_849, %mul3A_892 : vector<1x2048xf32>
    %get3A_894 = arith.constant 4 : index
    %get3A_895 = arith.constant 0 : index
    %get3A_896 = vector.load %arg2[%get3A_894, %get3A_895] : memref<16x2048xf32, #tpu.memory_space<vmem>>, vector<1x2048xf32>
    %mul3A_897 = arith.mulf %get3A_896, %mul3A_37 : vector<1x2048xf32>
    %mul3A_898 = arith.constant -0.207019672 : f32
    %mul3A_899 = vector.broadcast %mul3A_898 : f32 to vector<1x2048xf32>
    %mul3A_900 = arith.mulf %mul3A_897, %mul3A_899 : vector<1x2048xf32>
    %get3A_901 = arith.constant 4 : index
    %get3A_902 = arith.constant 0 : index
    %get3A_903 = vector.load %arg2[%get3A_901, %get3A_902] : memref<16x2048xf32, #tpu.memory_space<vmem>>, vector<1x2048xf32>
    %mul3A_904 = arith.mulf %get3A_903, %mul3A_46 : vector<1x2048xf32>
    %mul3A_905 = arith.constant 0.239045724 : f32
    %mul3A_906 = vector.broadcast %mul3A_905 : f32 to vector<1x2048xf32>
    %mul3A_907 = arith.mulf %mul3A_904, %mul3A_906 : vector<1x2048xf32>
    %get3A_908 = arith.constant 4 : index
    %get3A_909 = arith.constant 0 : index
    %get3A_910 = vector.load %arg2[%get3A_908, %get3A_909] : memref<16x2048xf32, #tpu.memory_space<vmem>>, vector<1x2048xf32>
    %mul3A_911 = arith.mulf %get3A_910, %mul3A_50 : vector<1x2048xf32>
    %mul3A_912 = arith.constant -0.207019672 : f32
    %mul3A_913 = vector.broadcast %mul3A_912 : f32 to vector<1x2048xf32>
    %mul3A_914 = arith.mulf %mul3A_911, %mul3A_913 : vector<1x2048xf32>
    %get3A_915 = arith.constant 5 : index
    %get3A_916 = arith.constant 0 : index
    %get3A_917 = vector.load %arg2[%get3A_915, %get3A_916] : memref<16x2048xf32, #tpu.memory_space<vmem>>, vector<1x2048xf32>
    %mul3A_918 = arith.mulf %get3A_917, %mul3A_33 : vector<1x2048xf32>
    %mul3A_919 = arith.constant -0.207019672 : f32
    %mul3A_920 = vector.broadcast %mul3A_919 : f32 to vector<1x2048xf32>
    %mul3A_921 = arith.mulf %mul3A_918, %mul3A_920 : vector<1x2048xf32>
    %add3A_922 = arith.addf %mul3A_900, %mul3A_921 : vector<1x2048xf32>
    %mul3A_923 = arith.constant -0.119522862 : f32
    %mul3A_924 = vector.broadcast %mul3A_923 : f32 to vector<1x2048xf32>
    %mul3A_925 = arith.mulf %mul3A_856, %mul3A_924 : vector<1x2048xf32>
    %add3A_926 = arith.addf %mul3A_893, %mul3A_925 : vector<1x2048xf32>
    %mul3A_927 = arith.constant 0.207019672 : f32
    %mul3A_928 = vector.broadcast %mul3A_927 : f32 to vector<1x2048xf32>
    %mul3A_929 = arith.mulf %mul3A_856, %mul3A_928 : vector<1x2048xf32>
    %get3A_930 = arith.constant 5 : index
    %get3A_931 = arith.constant 0 : index
    %get3A_932 = vector.load %arg2[%get3A_930, %get3A_931] : memref<16x2048xf32, #tpu.memory_space<vmem>>, vector<1x2048xf32>
    %mul3A_933 = arith.mulf %get3A_932, %mul3A_46 : vector<1x2048xf32>
    %mul3A_934 = arith.constant -0.119522862 : f32
    %mul3A_935 = vector.broadcast %mul3A_934 : f32 to vector<1x2048xf32>
    %mul3A_936 = arith.mulf %mul3A_933, %mul3A_935 : vector<1x2048xf32>
    %add3A_937 = arith.addf %mul3A_914, %mul3A_936 : vector<1x2048xf32>
    %get3A_938 = arith.constant 5 : index
    %get3A_939 = arith.constant 0 : index
    %get3A_940 = vector.load %arg2[%get3A_938, %get3A_939] : memref<16x2048xf32, #tpu.memory_space<vmem>>, vector<1x2048xf32>
    %mul3A_941 = arith.mulf %get3A_940, %mul3A_50 : vector<1x2048xf32>
    %mul3A_942 = arith.constant -0.207019672 : f32
    %mul3A_943 = vector.broadcast %mul3A_942 : f32 to vector<1x2048xf32>
    %mul3A_944 = arith.mulf %mul3A_941, %mul3A_943 : vector<1x2048xf32>
    %add3A_945 = arith.addf %mul3A_907, %mul3A_944 : vector<1x2048xf32>
    %get3A_946 = arith.constant 5 : index
    %get3A_947 = arith.constant 0 : index
    %get3A_948 = vector.load %arg2[%get3A_946, %get3A_947] : memref<16x2048xf32, #tpu.memory_space<vmem>>, vector<1x2048xf32>
    %mul3A_949 = arith.mulf %get3A_948, %mul3A_56 : vector<1x2048xf32>
    %mul3A_950 = arith.constant 0.207019672 : f32
    %mul3A_951 = vector.broadcast %mul3A_950 : f32 to vector<1x2048xf32>
    %mul3A_952 = arith.mulf %mul3A_949, %mul3A_951 : vector<1x2048xf32>
    %add3A_953 = arith.addf %add3A_937, %mul3A_952 : vector<1x2048xf32>
    %get3A_954 = arith.constant 6 : index
    %get3A_955 = arith.constant 0 : index
    %get3A_956 = vector.load %arg2[%get3A_954, %get3A_955] : memref<16x2048xf32, #tpu.memory_space<vmem>>, vector<1x2048xf32>
    %mul3A_957 = arith.mulf %get3A_956, %mul3A_33 : vector<1x2048xf32>
    %mul3A_958 = arith.constant 0.239045724 : f32
    %mul3A_959 = vector.broadcast %mul3A_958 : f32 to vector<1x2048xf32>
    %mul3A_960 = arith.mulf %mul3A_957, %mul3A_959 : vector<1x2048xf32>
    %add3A_961 = arith.addf %add3A_945, %mul3A_960 : vector<1x2048xf32>
    %get3A_962 = arith.constant 6 : index
    %get3A_963 = arith.constant 0 : index
    %get3A_964 = vector.load %arg2[%get3A_962, %get3A_963] : memref<16x2048xf32, #tpu.memory_space<vmem>>, vector<1x2048xf32>
    %mul3A_965 = arith.mulf %get3A_964, %mul3A_37 : vector<1x2048xf32>
    %mul3A_966 = arith.constant -0.119522862 : f32
    %mul3A_967 = vector.broadcast %mul3A_966 : f32 to vector<1x2048xf32>
    %mul3A_968 = arith.mulf %mul3A_965, %mul3A_967 : vector<1x2048xf32>
    %add3A_969 = arith.addf %add3A_953, %mul3A_968 : vector<1x2048xf32>
    %mul3A_970 = arith.constant -0.239045724 : f32
    %mul3A_971 = vector.broadcast %mul3A_970 : f32 to vector<1x2048xf32>
    %mul3A_972 = arith.mulf %mul3A_864, %mul3A_971 : vector<1x2048xf32>
    %add3A_973 = arith.addf %add3A_926, %mul3A_972 : vector<1x2048xf32>
    %get3A_974 = arith.constant 6 : index
    %get3A_975 = arith.constant 0 : index
    %get3A_976 = vector.load %arg2[%get3A_974, %get3A_975] : memref<16x2048xf32, #tpu.memory_space<vmem>>, vector<1x2048xf32>
    %mul3A_977 = arith.mulf %get3A_976, %mul3A_50 : vector<1x2048xf32>
    %mul3A_978 = arith.constant -0.119522862 : f32
    %mul3A_979 = vector.broadcast %mul3A_978 : f32 to vector<1x2048xf32>
    %mul3A_980 = arith.mulf %mul3A_977, %mul3A_979 : vector<1x2048xf32>
    %add3A_981 = arith.addf %add3A_922, %mul3A_980 : vector<1x2048xf32>
    %get3A_982 = arith.constant 6 : index
    %get3A_983 = arith.constant 0 : index
    %get3A_984 = vector.load %arg2[%get3A_982, %get3A_983] : memref<16x2048xf32, #tpu.memory_space<vmem>>, vector<1x2048xf32>
    %mul3A_985 = arith.mulf %get3A_984, %mul3A_56 : vector<1x2048xf32>
    %mul3A_986 = arith.constant 0.239045724 : f32
    %mul3A_987 = vector.broadcast %mul3A_986 : f32 to vector<1x2048xf32>
    %mul3A_988 = arith.mulf %mul3A_985, %mul3A_987 : vector<1x2048xf32>
    %add3A_989 = arith.addf %mul3A_929, %mul3A_988 : vector<1x2048xf32>
    %get3A_990 = arith.constant 7 : index
    %get3A_991 = arith.constant 0 : index
    %get3A_992 = vector.load %arg2[%get3A_990, %get3A_991] : memref<16x2048xf32, #tpu.memory_space<vmem>>, vector<1x2048xf32>
    %mul3A_993 = arith.mulf %get3A_992, %mul3A_33 : vector<1x2048xf32>
    %mul3A_994 = arith.constant -0.207019672 : f32
    %mul3A_995 = vector.broadcast %mul3A_994 : f32 to vector<1x2048xf32>
    %mul3A_996 = arith.mulf %mul3A_993, %mul3A_995 : vector<1x2048xf32>
    %add3A_997 = arith.addf %add3A_969, %mul3A_996 : vector<1x2048xf32>
    %get3A_998 = arith.constant 7 : index
    %get3A_999 = arith.constant 0 : index
    %get3A_1000 = vector.load %arg2[%get3A_998, %get3A_999] : memref<16x2048xf32, #tpu.memory_space<vmem>>, vector<1x2048xf32>
    %mul3A_1001 = arith.mulf %get3A_1000, %mul3A_37 : vector<1x2048xf32>
    %mul3A_1002 = arith.constant -0.207019672 : f32
    %mul3A_1003 = vector.broadcast %mul3A_1002 : f32 to vector<1x2048xf32>
    %mul3A_1004 = arith.mulf %mul3A_1001, %mul3A_1003 : vector<1x2048xf32>
    %add3A_1005 = arith.addf %add3A_961, %mul3A_1004 : vector<1x2048xf32>
    %get3A_1006 = arith.constant 7 : index
    %get3A_1007 = arith.constant 0 : index
    %get3A_1008 = vector.load %arg2[%get3A_1006, %get3A_1007] : memref<16x2048xf32, #tpu.memory_space<vmem>>, vector<1x2048xf32>
    %mul3A_1009 = arith.mulf %get3A_1008, %mul3A_46 : vector<1x2048xf32>
    %mul3A_1010 = arith.constant -0.119522862 : f32
    %mul3A_1011 = vector.broadcast %mul3A_1010 : f32 to vector<1x2048xf32>
    %mul3A_1012 = arith.mulf %mul3A_1009, %mul3A_1011 : vector<1x2048xf32>
    %add3A_1013 = arith.addf %add3A_981, %mul3A_1012 : vector<1x2048xf32>
    %mul3A_1014 = arith.constant -0.119522862 : f32
    %mul3A_1015 = vector.broadcast %mul3A_1014 : f32 to vector<1x2048xf32>
    %mul3A_1016 = arith.mulf %mul3A_872, %mul3A_1015 : vector<1x2048xf32>
    %add3A_1017 = arith.addf %add3A_973, %mul3A_1016 : vector<1x2048xf32>
    %mul3A_1018 = arith.constant -0.207019672 : f32
    %mul3A_1019 = vector.broadcast %mul3A_1018 : f32 to vector<1x2048xf32>
    %mul3A_1020 = arith.mulf %mul3A_872, %mul3A_1019 : vector<1x2048xf32>
    %add3A_1021 = arith.addf %add3A_989, %mul3A_1020 : vector<1x2048xf32>
    %get3A_1022 = arith.constant 7 : index
    %get3A_1023 = arith.constant 0 : index
    %get3A_1024 = vector.load %arg2[%get3A_1022, %get3A_1023] : memref<16x2048xf32, #tpu.memory_space<vmem>>, vector<1x2048xf32>
    %mul3A_1025 = arith.mulf %get3A_1024, %mul3A_56 : vector<1x2048xf32>
    %mul3A_1026 = arith.constant -0.207019672 : f32
    %mul3A_1027 = vector.broadcast %mul3A_1026 : f32 to vector<1x2048xf32>
    %mul3A_1028 = arith.mulf %mul3A_1025, %mul3A_1027 : vector<1x2048xf32>
    %add3A_1029 = arith.addf %add3A_1013, %mul3A_1028 : vector<1x2048xf32>
    %get3A_1030 = arith.constant 8 : index
    %get3A_1031 = arith.constant 0 : index
    %get3A_1032 = vector.load %arg2[%get3A_1030, %get3A_1031] : memref<16x2048xf32, #tpu.memory_space<vmem>>, vector<1x2048xf32>
    %mul3A_1033 = arith.mulf %get3A_1032, %mul3A_37 : vector<1x2048xf32>
    %mul3A_1034 = arith.constant 0.207019672 : f32
    %mul3A_1035 = vector.broadcast %mul3A_1034 : f32 to vector<1x2048xf32>
    %mul3A_1036 = arith.mulf %mul3A_1033, %mul3A_1035 : vector<1x2048xf32>
    %add3A_1037 = arith.addf %add3A_997, %mul3A_1036 : vector<1x2048xf32>
    %get3A_1038 = arith.constant 8 : index
    %get3A_1039 = arith.constant 0 : index
    %get3A_1040 = vector.load %arg2[%get3A_1038, %get3A_1039] : memref<16x2048xf32, #tpu.memory_space<vmem>>, vector<1x2048xf32>
    %mul3A_1041 = arith.mulf %get3A_1040, %mul3A_46 : vector<1x2048xf32>
    %mul3A_1042 = arith.constant 0.239045724 : f32
    %mul3A_1043 = vector.broadcast %mul3A_1042 : f32 to vector<1x2048xf32>
    %mul3A_1044 = arith.mulf %mul3A_1041, %mul3A_1043 : vector<1x2048xf32>
    %add3A_1045 = arith.addf %add3A_1021, %mul3A_1044 : vector<1x2048xf32>
    %get3A_1046 = arith.constant 8 : index
    %get3A_1047 = arith.constant 0 : index
    %get3A_1048 = vector.load %arg2[%get3A_1046, %get3A_1047] : memref<16x2048xf32, #tpu.memory_space<vmem>>, vector<1x2048xf32>
    %mul3A_1049 = arith.mulf %get3A_1048, %mul3A_50 : vector<1x2048xf32>
    %mul3A_1050 = arith.constant -0.207019672 : f32
    %mul3A_1051 = vector.broadcast %mul3A_1050 : f32 to vector<1x2048xf32>
    %mul3A_1052 = arith.mulf %mul3A_1049, %mul3A_1051 : vector<1x2048xf32>
    %add3A_1053 = arith.addf %add3A_1029, %mul3A_1052 : vector<1x2048xf32>
    %mul3A_1054 = arith.constant 0.239045724 : f32
    %mul3A_1055 = vector.broadcast %mul3A_1054 : f32 to vector<1x2048xf32>
    %mul3A_1056 = arith.mulf %mul3A_880, %mul3A_1055 : vector<1x2048xf32>
    %add3A_1057 = arith.addf %add3A_1017, %mul3A_1056 : vector<1x2048xf32>
    %mul3A_1058 = arith.mulf %mul3A_890, %add3A_1057 : vector<1x2048xf32>
    %add3A_1059 = arith.addf %add3A_631, %mul3A_1058 : vector<1x2048xf32>
    %mul3A_1060 = arith.mulf %mul3A_890, %add3A_1053 : vector<1x2048xf32>
    %add3A_1061 = arith.addf %add3A_633, %mul3A_1060 : vector<1x2048xf32>
    %mul3A_1062 = arith.mulf %mul3A_890, %add3A_1005 : vector<1x2048xf32>
    %add3A_1063 = arith.addf %add3A_627, %mul3A_1062 : vector<1x2048xf32>
    %mul3A_1064 = arith.mulf %mul3A_890, %add3A_1037 : vector<1x2048xf32>
    %add3A_1065 = arith.addf %add3A_629, %mul3A_1064 : vector<1x2048xf32>
    %mul3A_1066 = arith.mulf %mul3A_890, %add3A_1045 : vector<1x2048xf32>
    %add3A_1067 = arith.addf %add3A_635, %mul3A_1066 : vector<1x2048xf32>
    %slice3A_1068 = vector.extract_strided_slice %mul3A_167 {offsets = [13, 0], sizes = [1, 2048], strides = [1, 1]} : vector<17x2048xf32> to vector<1x2048xf32>
    %mul3A_1069 = arith.constant 1.32287562 : f32
    %mul3A_1070 = vector.broadcast %mul3A_1069 : f32 to vector<1x2048xf32>
    %mul3A_1071 = arith.mulf %slice3A_1068, %mul3A_1070 : vector<1x2048xf32>
    %get3A_1072 = arith.constant 9 : index
    %get3A_1073 = arith.constant 0 : index
    %get3A_1074 = vector.load %arg2[%get3A_1072, %get3A_1073] : memref<16x2048xf32, #tpu.memory_space<vmem>>, vector<1x2048xf32>
    %mul3A_1075 = arith.mulf %get3A_1074, %broadcast_in_dim3A_20 : vector<1x2048xf32>
    %mul3A_1076 = arith.constant 0.377964467 : f32
    %mul3A_1077 = vector.broadcast %mul3A_1076 : f32 to vector<1x2048xf32>
    %mul3A_1078 = arith.mulf %mul3A_1075, %mul3A_1077 : vector<1x2048xf32>
    %get3A_1079 = arith.constant 10 : index
    %get3A_1080 = arith.constant 0 : index
    %get3A_1081 = vector.load %arg2[%get3A_1079, %get3A_1080] : memref<16x2048xf32, #tpu.memory_space<vmem>>, vector<1x2048xf32>
    %mul3A_1082 = arith.mulf %get3A_1081, %broadcast_in_dim3A_20 : vector<1x2048xf32>
    %mul3A_1083 = arith.constant 0.377964467 : f32
    %mul3A_1084 = vector.broadcast %mul3A_1083 : f32 to vector<1x2048xf32>
    %mul3A_1085 = arith.mulf %mul3A_1082, %mul3A_1084 : vector<1x2048xf32>
    %get3A_1086 = arith.constant 11 : index
    %get3A_1087 = arith.constant 0 : index
    %get3A_1088 = vector.load %arg2[%get3A_1086, %get3A_1087] : memref<16x2048xf32, #tpu.memory_space<vmem>>, vector<1x2048xf32>
    %mul3A_1089 = arith.mulf %get3A_1088, %broadcast_in_dim3A_20 : vector<1x2048xf32>
    %mul3A_1090 = arith.constant 0.377964467 : f32
    %mul3A_1091 = vector.broadcast %mul3A_1090 : f32 to vector<1x2048xf32>
    %mul3A_1092 = arith.mulf %mul3A_1089, %mul3A_1091 : vector<1x2048xf32>
    %get3A_1093 = arith.constant 12 : index
    %get3A_1094 = arith.constant 0 : index
    %get3A_1095 = vector.load %arg2[%get3A_1093, %get3A_1094] : memref<16x2048xf32, #tpu.memory_space<vmem>>, vector<1x2048xf32>
    %mul3A_1096 = arith.mulf %get3A_1095, %broadcast_in_dim3A_20 : vector<1x2048xf32>
    %mul3A_1097 = arith.constant 0.377964467 : f32
    %mul3A_1098 = vector.broadcast %mul3A_1097 : f32 to vector<1x2048xf32>
    %mul3A_1099 = arith.mulf %mul3A_1096, %mul3A_1098 : vector<1x2048xf32>
    %get3A_1100 = arith.constant 13 : index
    %get3A_1101 = arith.constant 0 : index
    %get3A_1102 = vector.load %arg2[%get3A_1100, %get3A_1101] : memref<16x2048xf32, #tpu.memory_space<vmem>>, vector<1x2048xf32>
    %mul3A_1103 = arith.mulf %get3A_1102, %broadcast_in_dim3A_20 : vector<1x2048xf32>
    %mul3A_1104 = arith.constant 0.377964467 : f32
    %mul3A_1105 = vector.broadcast %mul3A_1104 : f32 to vector<1x2048xf32>
    %mul3A_1106 = arith.mulf %mul3A_1103, %mul3A_1105 : vector<1x2048xf32>
    %get3A_1107 = arith.constant 14 : index
    %get3A_1108 = arith.constant 0 : index
    %get3A_1109 = vector.load %arg2[%get3A_1107, %get3A_1108] : memref<16x2048xf32, #tpu.memory_space<vmem>>, vector<1x2048xf32>
    %mul3A_1110 = arith.mulf %get3A_1109, %broadcast_in_dim3A_20 : vector<1x2048xf32>
    %mul3A_1111 = arith.constant 0.377964467 : f32
    %mul3A_1112 = vector.broadcast %mul3A_1111 : f32 to vector<1x2048xf32>
    %mul3A_1113 = arith.mulf %mul3A_1110, %mul3A_1112 : vector<1x2048xf32>
    %get3A_1114 = arith.constant 15 : index
    %get3A_1115 = arith.constant 0 : index
    %get3A_1116 = vector.load %arg2[%get3A_1114, %get3A_1115] : memref<16x2048xf32, #tpu.memory_space<vmem>>, vector<1x2048xf32>
    %mul3A_1117 = arith.mulf %get3A_1116, %broadcast_in_dim3A_20 : vector<1x2048xf32>
    %mul3A_1118 = arith.constant 0.377964467 : f32
    %mul3A_1119 = vector.broadcast %mul3A_1118 : f32 to vector<1x2048xf32>
    %mul3A_1120 = arith.mulf %mul3A_1117, %mul3A_1119 : vector<1x2048xf32>
    %mul3A_1121 = arith.mulf %mul3A_1071, %mul3A_1078 : vector<1x2048xf32>
    %add3A_1122 = arith.addf %add3A_835, %mul3A_1121 : vector<1x2048xf32>
    %mul3A_1123 = arith.mulf %mul3A_1071, %mul3A_1085 : vector<1x2048xf32>
    %add3A_1124 = arith.addf %add3A_833, %mul3A_1123 : vector<1x2048xf32>
    %mul3A_1125 = arith.mulf %mul3A_1071, %mul3A_1092 : vector<1x2048xf32>
    %add3A_1126 = arith.addf %add3A_837, %mul3A_1125 : vector<1x2048xf32>
    %mul3A_1127 = arith.mulf %mul3A_1071, %mul3A_1099 : vector<1x2048xf32>
    %add3A_1128 = arith.addf %add3A_839, %mul3A_1127 : vector<1x2048xf32>
    %mul3A_1129 = arith.mulf %mul3A_1071, %mul3A_1106 : vector<1x2048xf32>
    %add3A_1130 = arith.addf %add3A_829, %mul3A_1129 : vector<1x2048xf32>
    %mul3A_1131 = arith.mulf %mul3A_1071, %mul3A_1113 : vector<1x2048xf32>
    %add3A_1132 = arith.addf %add3A_841, %mul3A_1131 : vector<1x2048xf32>
    %mul3A_1133 = arith.mulf %mul3A_1071, %mul3A_1120 : vector<1x2048xf32>
    %add3A_1134 = arith.addf %add3A_831, %mul3A_1133 : vector<1x2048xf32>
    %slice3A_1135 = vector.extract_strided_slice %mul3A_167 {offsets = [14, 0], sizes = [1, 2048], strides = [1, 1]} : vector<17x2048xf32> to vector<1x2048xf32>
    %mul3A_1136 = arith.constant 1.000000e+00 : f32
    %mul3A_1137 = vector.broadcast %mul3A_1136 : f32 to vector<1x2048xf32>
    %mul3A_1138 = arith.mulf %slice3A_1135, %mul3A_1137 : vector<1x2048xf32>
    %get3A_1139 = arith.constant 9 : index
    %get3A_1140 = arith.constant 0 : index
    %get3A_1141 = vector.load %arg2[%get3A_1139, %get3A_1140] : memref<16x2048xf32, #tpu.memory_space<vmem>>, vector<1x2048xf32>
    %mul3A_1142 = arith.mulf %get3A_1141, %mul3A_23 : vector<1x2048xf32>
    %mul3A_1143 = arith.constant 0.267261237 : f32
    %mul3A_1144 = vector.broadcast %mul3A_1143 : f32 to vector<1x2048xf32>
    %mul3A_1145 = arith.mulf %mul3A_1142, %mul3A_1144 : vector<1x2048xf32>
    %get3A_1146 = arith.constant 9 : index
    %get3A_1147 = arith.constant 0 : index
    %get3A_1148 = vector.load %arg2[%get3A_1146, %get3A_1147] : memref<16x2048xf32, #tpu.memory_space<vmem>>, vector<1x2048xf32>
    %mul3A_1149 = arith.mulf %get3A_1148, %mul3A_29 : vector<1x2048xf32>
    %mul3A_1150 = arith.constant 0.267261237 : f32
    %mul3A_1151 = vector.broadcast %mul3A_1150 : f32 to vector<1x2048xf32>
    %mul3A_1152 = arith.mulf %mul3A_1149, %mul3A_1151 : vector<1x2048xf32>
    %get3A_1153 = arith.constant 10 : index
    %get3A_1154 = arith.constant 0 : index
    %get3A_1155 = vector.load %arg2[%get3A_1153, %get3A_1154] : memref<16x2048xf32, #tpu.memory_space<vmem>>, vector<1x2048xf32>
    %mul3A_1156 = arith.mulf %get3A_1155, %mul3A_23 : vector<1x2048xf32>
    %mul3A_1157 = arith.constant 0.218217894 : f32
    %mul3A_1158 = vector.broadcast %mul3A_1157 : f32 to vector<1x2048xf32>
    %mul3A_1159 = arith.mulf %mul3A_1156, %mul3A_1158 : vector<1x2048xf32>
    %get3A_1160 = arith.constant 10 : index
    %get3A_1161 = arith.constant 0 : index
    %get3A_1162 = vector.load %arg2[%get3A_1160, %get3A_1161] : memref<16x2048xf32, #tpu.memory_space<vmem>>, vector<1x2048xf32>
    %mul3A_1163 = arith.mulf %get3A_1162, %mul3A_26 : vector<1x2048xf32>
    %mul3A_1164 = arith.constant 0.218217894 : f32
    %mul3A_1165 = vector.broadcast %mul3A_1164 : f32 to vector<1x2048xf32>
    %mul3A_1166 = arith.mulf %mul3A_1163, %mul3A_1165 : vector<1x2048xf32>
    %add3A_1167 = arith.addf %mul3A_1152, %mul3A_1166 : vector<1x2048xf32>
    %get3A_1168 = arith.constant 10 : index
    %get3A_1169 = arith.constant 0 : index
    %get3A_1170 = vector.load %arg2[%get3A_1168, %get3A_1169] : memref<16x2048xf32, #tpu.memory_space<vmem>>, vector<1x2048xf32>
    %mul3A_1171 = arith.mulf %get3A_1170, %mul3A_29 : vector<1x2048xf32>
    %mul3A_1172 = arith.constant 0.218217894 : f32
    %mul3A_1173 = vector.broadcast %mul3A_1172 : f32 to vector<1x2048xf32>
    %mul3A_1174 = arith.mulf %mul3A_1171, %mul3A_1173 : vector<1x2048xf32>
    %get3A_1175 = arith.constant 11 : index
    %get3A_1176 = arith.constant 0 : index
    %get3A_1177 = vector.load %arg2[%get3A_1175, %get3A_1176] : memref<16x2048xf32, #tpu.memory_space<vmem>>, vector<1x2048xf32>
    %mul3A_1178 = arith.mulf %get3A_1177, %mul3A_23 : vector<1x2048xf32>
    %mul3A_1179 = arith.constant 0.239045724 : f32
    %mul3A_1180 = vector.broadcast %mul3A_1179 : f32 to vector<1x2048xf32>
    %mul3A_1181 = arith.mulf %mul3A_1178, %mul3A_1180 : vector<1x2048xf32>
    %mul3A_1182 = arith.constant 0.0690065548 : f32
    %mul3A_1183 = vector.broadcast %mul3A_1182 : f32 to vector<1x2048xf32>
    %mul3A_1184 = arith.mulf %mul3A_1178, %mul3A_1183 : vector<1x2048xf32>
    %add3A_1185 = arith.addf %mul3A_1145, %mul3A_1184 : vector<1x2048xf32>
    %get3A_1186 = arith.constant 11 : index
    %get3A_1187 = arith.constant 0 : index
    %get3A_1188 = vector.load %arg2[%get3A_1186, %get3A_1187] : memref<16x2048xf32, #tpu.memory_space<vmem>>, vector<1x2048xf32>
    %mul3A_1189 = arith.mulf %get3A_1188, %mul3A_26 : vector<1x2048xf32>
    %mul3A_1190 = arith.constant 0.276026219 : f32
    %mul3A_1191 = vector.broadcast %mul3A_1190 : f32 to vector<1x2048xf32>
    %mul3A_1192 = arith.mulf %mul3A_1189, %mul3A_1191 : vector<1x2048xf32>
    %add3A_1193 = arith.addf %mul3A_1174, %mul3A_1192 : vector<1x2048xf32>
    %get3A_1194 = arith.constant 11 : index
    %get3A_1195 = arith.constant 0 : index
    %get3A_1196 = vector.load %arg2[%get3A_1194, %get3A_1195] : memref<16x2048xf32, #tpu.memory_space<vmem>>, vector<1x2048xf32>
    %mul3A_1197 = arith.mulf %get3A_1196, %mul3A_29 : vector<1x2048xf32>
    %mul3A_1198 = arith.constant -0.0690065548 : f32
    %mul3A_1199 = vector.broadcast %mul3A_1198 : f32 to vector<1x2048xf32>
    %mul3A_1200 = arith.mulf %mul3A_1197, %mul3A_1199 : vector<1x2048xf32>
    %add3A_1201 = arith.addf %add3A_1167, %mul3A_1200 : vector<1x2048xf32>
    %get3A_1202 = arith.constant 12 : index
    %get3A_1203 = arith.constant 0 : index
    %get3A_1204 = vector.load %arg2[%get3A_1202, %get3A_1203] : memref<16x2048xf32, #tpu.memory_space<vmem>>, vector<1x2048xf32>
    %mul3A_1205 = arith.mulf %get3A_1204, %mul3A_23 : vector<1x2048xf32>
    %mul3A_1206 = arith.constant -0.169030845 : f32
    %mul3A_1207 = vector.broadcast %mul3A_1206 : f32 to vector<1x2048xf32>
    %mul3A_1208 = arith.mulf %mul3A_1205, %mul3A_1207 : vector<1x2048xf32>
    %add3A_1209 = arith.addf %add3A_1193, %mul3A_1208 : vector<1x2048xf32>
    %get3A_1210 = arith.constant 12 : index
    %get3A_1211 = arith.constant 0 : index
    %get3A_1212 = vector.load %arg2[%get3A_1210, %get3A_1211] : memref<16x2048xf32, #tpu.memory_space<vmem>>, vector<1x2048xf32>
    %mul3A_1213 = arith.mulf %get3A_1212, %mul3A_26 : vector<1x2048xf32>
    %mul3A_1214 = arith.constant 0.292770028 : f32
    %mul3A_1215 = vector.broadcast %mul3A_1214 : f32 to vector<1x2048xf32>
    %mul3A_1216 = arith.mulf %mul3A_1213, %mul3A_1215 : vector<1x2048xf32>
    %add3A_1217 = arith.addf %mul3A_1181, %mul3A_1216 : vector<1x2048xf32>
    %get3A_1218 = arith.constant 12 : index
    %get3A_1219 = arith.constant 0 : index
    %get3A_1220 = vector.load %arg2[%get3A_1218, %get3A_1219] : memref<16x2048xf32, #tpu.memory_space<vmem>>, vector<1x2048xf32>
    %mul3A_1221 = arith.mulf %get3A_1220, %mul3A_29 : vector<1x2048xf32>
    %mul3A_1222 = arith.constant -0.169030845 : f32
    %mul3A_1223 = vector.broadcast %mul3A_1222 : f32 to vector<1x2048xf32>
    %mul3A_1224 = arith.mulf %mul3A_1221, %mul3A_1223 : vector<1x2048xf32>
    %add3A_1225 = arith.addf %mul3A_1159, %mul3A_1224 : vector<1x2048xf32>
    %get3A_1226 = arith.constant 13 : index
    %get3A_1227 = arith.constant 0 : index
    %get3A_1228 = vector.load %arg2[%get3A_1226, %get3A_1227] : memref<16x2048xf32, #tpu.memory_space<vmem>>, vector<1x2048xf32>
    %mul3A_1229 = arith.mulf %get3A_1228, %mul3A_23 : vector<1x2048xf32>
    %mul3A_1230 = arith.constant -0.0690065548 : f32
    %mul3A_1231 = vector.broadcast %mul3A_1230 : f32 to vector<1x2048xf32>
    %mul3A_1232 = arith.mulf %mul3A_1229, %mul3A_1231 : vector<1x2048xf32>
    %add3A_1233 = arith.addf %add3A_1201, %mul3A_1232 : vector<1x2048xf32>
    %get3A_1234 = arith.constant 13 : index
    %get3A_1235 = arith.constant 0 : index
    %get3A_1236 = vector.load %arg2[%get3A_1234, %get3A_1235] : memref<16x2048xf32, #tpu.memory_space<vmem>>, vector<1x2048xf32>
    %mul3A_1237 = arith.mulf %get3A_1236, %mul3A_26 : vector<1x2048xf32>
    %mul3A_1238 = arith.constant 0.276026219 : f32
    %mul3A_1239 = vector.broadcast %mul3A_1238 : f32 to vector<1x2048xf32>
    %mul3A_1240 = arith.mulf %mul3A_1237, %mul3A_1239 : vector<1x2048xf32>
    %add3A_1241 = arith.addf %add3A_1225, %mul3A_1240 : vector<1x2048xf32>
    %get3A_1242 = arith.constant 13 : index
    %get3A_1243 = arith.constant 0 : index
    %get3A_1244 = vector.load %arg2[%get3A_1242, %get3A_1243] : memref<16x2048xf32, #tpu.memory_space<vmem>>, vector<1x2048xf32>
    %mul3A_1245 = arith.mulf %get3A_1244, %mul3A_29 : vector<1x2048xf32>
    %mul3A_1246 = arith.constant 0.239045724 : f32
    %mul3A_1247 = vector.broadcast %mul3A_1246 : f32 to vector<1x2048xf32>
    %mul3A_1248 = arith.mulf %mul3A_1245, %mul3A_1247 : vector<1x2048xf32>
    %add3A_1249 = arith.addf %add3A_1217, %mul3A_1248 : vector<1x2048xf32>
    %mul3A_1250 = arith.constant -0.0690065548 : f32
    %mul3A_1251 = vector.broadcast %mul3A_1250 : f32 to vector<1x2048xf32>
    %mul3A_1252 = arith.mulf %mul3A_1245, %mul3A_1251 : vector<1x2048xf32>
    %add3A_1253 = arith.addf %add3A_1185, %mul3A_1252 : vector<1x2048xf32>
    %get3A_1254 = arith.constant 14 : index
    %get3A_1255 = arith.constant 0 : index
    %get3A_1256 = vector.load %arg2[%get3A_1254, %get3A_1255] : memref<16x2048xf32, #tpu.memory_space<vmem>>, vector<1x2048xf32>
    %mul3A_1257 = arith.mulf %get3A_1256, %mul3A_23 : vector<1x2048xf32>
    %mul3A_1258 = arith.constant -0.218217894 : f32
    %mul3A_1259 = vector.broadcast %mul3A_1258 : f32 to vector<1x2048xf32>
    %mul3A_1260 = arith.mulf %mul3A_1257, %mul3A_1259 : vector<1x2048xf32>
    %add3A_1261 = arith.addf %add3A_1209, %mul3A_1260 : vector<1x2048xf32>
    %get3A_1262 = arith.constant 14 : index
    %get3A_1263 = arith.constant 0 : index
    %get3A_1264 = vector.load %arg2[%get3A_1262, %get3A_1263] : memref<16x2048xf32, #tpu.memory_space<vmem>>, vector<1x2048xf32>
    %mul3A_1265 = arith.mulf %get3A_1264, %mul3A_26 : vector<1x2048xf32>
    %mul3A_1266 = arith.constant 0.218217894 : f32
    %mul3A_1267 = vector.broadcast %mul3A_1266 : f32 to vector<1x2048xf32>
    %mul3A_1268 = arith.mulf %mul3A_1265, %mul3A_1267 : vector<1x2048xf32>
    %add3A_1269 = arith.addf %add3A_1253, %mul3A_1268 : vector<1x2048xf32>
    %get3A_1270 = arith.constant 14 : index
    %get3A_1271 = arith.constant 0 : index
    %get3A_1272 = vector.load %arg2[%get3A_1270, %get3A_1271] : memref<16x2048xf32, #tpu.memory_space<vmem>>, vector<1x2048xf32>
    %mul3A_1273 = arith.mulf %get3A_1272, %mul3A_29 : vector<1x2048xf32>
    %mul3A_1274 = arith.constant 0.218217894 : f32
    %mul3A_1275 = vector.broadcast %mul3A_1274 : f32 to vector<1x2048xf32>
    %mul3A_1276 = arith.mulf %mul3A_1273, %mul3A_1275 : vector<1x2048xf32>
    %add3A_1277 = arith.addf %add3A_1241, %mul3A_1276 : vector<1x2048xf32>
    %get3A_1278 = arith.constant 15 : index
    %get3A_1279 = arith.constant 0 : index
    %get3A_1280 = vector.load %arg2[%get3A_1278, %get3A_1279] : memref<16x2048xf32, #tpu.memory_space<vmem>>, vector<1x2048xf32>
    %mul3A_1281 = arith.mulf %get3A_1280, %mul3A_23 : vector<1x2048xf32>
    %mul3A_1282 = arith.constant -0.267261237 : f32
    %mul3A_1283 = vector.broadcast %mul3A_1282 : f32 to vector<1x2048xf32>
    %mul3A_1284 = arith.mulf %mul3A_1281, %mul3A_1283 : vector<1x2048xf32>
    %add3A_1285 = arith.addf %add3A_1233, %mul3A_1284 : vector<1x2048xf32>
    %get3A_1286 = arith.constant 15 : index
    %get3A_1287 = arith.constant 0 : index
    %get3A_1288 = vector.load %arg2[%get3A_1286, %get3A_1287] : memref<16x2048xf32, #tpu.memory_space<vmem>>, vector<1x2048xf32>
    %mul3A_1289 = arith.mulf %get3A_1288, %mul3A_29 : vector<1x2048xf32>
    %mul3A_1290 = arith.constant 0.267261237 : f32
    %mul3A_1291 = vector.broadcast %mul3A_1290 : f32 to vector<1x2048xf32>
    %mul3A_1292 = arith.mulf %mul3A_1289, %mul3A_1291 : vector<1x2048xf32>
    %add3A_1293 = arith.addf %add3A_1269, %mul3A_1292 : vector<1x2048xf32>
    %mul3A_1294 = arith.mulf %mul3A_1138, %add3A_1293 : vector<1x2048xf32>
    %add3A_1295 = arith.addf %add3A_1067, %mul3A_1294 : vector<1x2048xf32>
    %mul3A_1296 = arith.mulf %mul3A_1138, %add3A_1285 : vector<1x2048xf32>
    %add3A_1297 = arith.addf %add3A_1063, %mul3A_1296 : vector<1x2048xf32>
    %mul3A_1298 = arith.mulf %mul3A_1138, %add3A_1277 : vector<1x2048xf32>
    %add3A_1299 = arith.addf %add3A_1061, %mul3A_1298 : vector<1x2048xf32>
    %mul3A_1300 = arith.mulf %mul3A_1138, %add3A_1261 : vector<1x2048xf32>
    %add3A_1301 = arith.addf %add3A_1065, %mul3A_1300 : vector<1x2048xf32>
    %mul3A_1302 = arith.mulf %mul3A_1138, %add3A_1249 : vector<1x2048xf32>
    %add3A_1303 = arith.addf %add3A_1059, %mul3A_1302 : vector<1x2048xf32>
    %slice3A_1304 = vector.extract_strided_slice %mul3A_167 {offsets = [15, 0], sizes = [1, 2048], strides = [1, 1]} : vector<17x2048xf32> to vector<1x2048xf32>
    %mul3A_1305 = arith.constant 0.774596691 : f32
    %mul3A_1306 = vector.broadcast %mul3A_1305 : f32 to vector<1x2048xf32>
    %mul3A_1307 = arith.mulf %slice3A_1304, %mul3A_1306 : vector<1x2048xf32>
    %get3A_1308 = arith.constant 9 : index
    %get3A_1309 = arith.constant 0 : index
    %get3A_1310 = vector.load %arg2[%get3A_1308, %get3A_1309] : memref<16x2048xf32, #tpu.memory_space<vmem>>, vector<1x2048xf32>
    %mul3A_1311 = arith.mulf %get3A_1310, %mul3A_33 : vector<1x2048xf32>
    %mul3A_1312 = arith.constant 0.267261237 : f32
    %mul3A_1313 = vector.broadcast %mul3A_1312 : f32 to vector<1x2048xf32>
    %mul3A_1314 = arith.mulf %mul3A_1311, %mul3A_1313 : vector<1x2048xf32>
    %get3A_1315 = arith.constant 9 : index
    %get3A_1316 = arith.constant 0 : index
    %get3A_1317 = vector.load %arg2[%get3A_1315, %get3A_1316] : memref<16x2048xf32, #tpu.memory_space<vmem>>, vector<1x2048xf32>
    %mul3A_1318 = arith.mulf %get3A_1317, %mul3A_56 : vector<1x2048xf32>
    %mul3A_1319 = arith.constant 0.267261237 : f32
    %mul3A_1320 = vector.broadcast %mul3A_1319 : f32 to vector<1x2048xf32>
    %mul3A_1321 = arith.mulf %mul3A_1318, %mul3A_1320 : vector<1x2048xf32>
    %get3A_1322 = arith.constant 10 : index
    %get3A_1323 = arith.constant 0 : index
    %get3A_1324 = vector.load %arg2[%get3A_1322, %get3A_1323] : memref<16x2048xf32, #tpu.memory_space<vmem>>, vector<1x2048xf32>
    %mul3A_1325 = arith.mulf %get3A_1324, %mul3A_33 : vector<1x2048xf32>
    %mul3A_1326 = arith.constant 0.218217894 : f32
    %mul3A_1327 = vector.broadcast %mul3A_1326 : f32 to vector<1x2048xf32>
    %mul3A_1328 = arith.mulf %mul3A_1325, %mul3A_1327 : vector<1x2048xf32>
    %get3A_1329 = arith.constant 10 : index
    %get3A_1330 = arith.constant 0 : index
    %get3A_1331 = vector.load %arg2[%get3A_1329, %get3A_1330] : memref<16x2048xf32, #tpu.memory_space<vmem>>, vector<1x2048xf32>
    %mul3A_1332 = arith.mulf %get3A_1331, %mul3A_37 : vector<1x2048xf32>
    %mul3A_1333 = arith.constant 0.218217894 : f32
    %mul3A_1334 = vector.broadcast %mul3A_1333 : f32 to vector<1x2048xf32>
    %mul3A_1335 = arith.mulf %mul3A_1332, %mul3A_1334 : vector<1x2048xf32>
    %add3A_1336 = arith.addf %mul3A_1314, %mul3A_1335 : vector<1x2048xf32>
    %get3A_1337 = arith.constant 10 : index
    %get3A_1338 = arith.constant 0 : index
    %get3A_1339 = vector.load %arg2[%get3A_1337, %get3A_1338] : memref<16x2048xf32, #tpu.memory_space<vmem>>, vector<1x2048xf32>
    %mul3A_1340 = arith.mulf %get3A_1339, %mul3A_50 : vector<1x2048xf32>
    %mul3A_1341 = arith.constant 0.218217894 : f32
    %mul3A_1342 = vector.broadcast %mul3A_1341 : f32 to vector<1x2048xf32>
    %mul3A_1343 = arith.mulf %mul3A_1340, %mul3A_1342 : vector<1x2048xf32>
    %add3A_1344 = arith.addf %mul3A_1321, %mul3A_1343 : vector<1x2048xf32>
    %get3A_1345 = arith.constant 11 : index
    %get3A_1346 = arith.constant 0 : index
    %get3A_1347 = vector.load %arg2[%get3A_1345, %get3A_1346] : memref<16x2048xf32, #tpu.memory_space<vmem>>, vector<1x2048xf32>
    %mul3A_1348 = arith.mulf %get3A_1347, %mul3A_33 : vector<1x2048xf32>
    %mul3A_1349 = arith.constant -0.0690065548 : f32
    %mul3A_1350 = vector.broadcast %mul3A_1349 : f32 to vector<1x2048xf32>
    %mul3A_1351 = arith.mulf %mul3A_1348, %mul3A_1350 : vector<1x2048xf32>
    %add3A_1352 = arith.addf %add3A_1336, %mul3A_1351 : vector<1x2048xf32>
    %get3A_1353 = arith.constant 11 : index
    %get3A_1354 = arith.constant 0 : index
    %get3A_1355 = vector.load %arg2[%get3A_1353, %get3A_1354] : memref<16x2048xf32, #tpu.memory_space<vmem>>, vector<1x2048xf32>
    %mul3A_1356 = arith.mulf %get3A_1355, %mul3A_37 : vector<1x2048xf32>
    %mul3A_1357 = arith.constant 0.276026219 : f32
    %mul3A_1358 = vector.broadcast %mul3A_1357 : f32 to vector<1x2048xf32>
    %mul3A_1359 = arith.mulf %mul3A_1356, %mul3A_1358 : vector<1x2048xf32>
    %add3A_1360 = arith.addf %mul3A_1328, %mul3A_1359 : vector<1x2048xf32>
    %get3A_1361 = arith.constant 11 : index
    %get3A_1362 = arith.constant 0 : index
    %get3A_1363 = vector.load %arg2[%get3A_1361, %get3A_1362] : memref<16x2048xf32, #tpu.memory_space<vmem>>, vector<1x2048xf32>
    %mul3A_1364 = arith.mulf %get3A_1363, %mul3A_46 : vector<1x2048xf32>
    %mul3A_1365 = arith.constant 0.239045724 : f32
    %mul3A_1366 = vector.broadcast %mul3A_1365 : f32 to vector<1x2048xf32>
    %mul3A_1367 = arith.mulf %mul3A_1364, %mul3A_1366 : vector<1x2048xf32>
    %add3A_1368 = arith.addf %add3A_1344, %mul3A_1367 : vector<1x2048xf32>
    %get3A_1369 = arith.constant 11 : index
    %get3A_1370 = arith.constant 0 : index
    %get3A_1371 = vector.load %arg2[%get3A_1369, %get3A_1370] : memref<16x2048xf32, #tpu.memory_space<vmem>>, vector<1x2048xf32>
    %mul3A_1372 = arith.mulf %get3A_1371, %mul3A_56 : vector<1x2048xf32>
    %mul3A_1373 = arith.constant 0.0690065548 : f32
    %mul3A_1374 = vector.broadcast %mul3A_1373 : f32 to vector<1x2048xf32>
    %mul3A_1375 = arith.mulf %mul3A_1372, %mul3A_1374 : vector<1x2048xf32>
    %add3A_1376 = arith.addf %add3A_1368, %mul3A_1375 : vector<1x2048xf32>
    %get3A_1377 = arith.constant 12 : index
    %get3A_1378 = arith.constant 0 : index
    %get3A_1379 = vector.load %arg2[%get3A_1377, %get3A_1378] : memref<16x2048xf32, #tpu.memory_space<vmem>>, vector<1x2048xf32>
    %mul3A_1380 = arith.mulf %get3A_1379, %mul3A_37 : vector<1x2048xf32>
    %mul3A_1381 = arith.constant -0.169030845 : f32
    %mul3A_1382 = vector.broadcast %mul3A_1381 : f32 to vector<1x2048xf32>
    %mul3A_1383 = arith.mulf %mul3A_1380, %mul3A_1382 : vector<1x2048xf32>
    %add3A_1384 = arith.addf %add3A_1376, %mul3A_1383 : vector<1x2048xf32>
    %get3A_1385 = arith.constant 12 : index
    %get3A_1386 = arith.constant 0 : index
    %get3A_1387 = vector.load %arg2[%get3A_1385, %get3A_1386] : memref<16x2048xf32, #tpu.memory_space<vmem>>, vector<1x2048xf32>
    %mul3A_1388 = arith.mulf %get3A_1387, %mul3A_46 : vector<1x2048xf32>
    %mul3A_1389 = arith.constant 0.292770028 : f32
    %mul3A_1390 = vector.broadcast %mul3A_1389 : f32 to vector<1x2048xf32>
    %mul3A_1391 = arith.mulf %mul3A_1388, %mul3A_1390 : vector<1x2048xf32>
    %add3A_1392 = arith.addf %add3A_1360, %mul3A_1391 : vector<1x2048xf32>
    %get3A_1393 = arith.constant 12 : index
    %get3A_1394 = arith.constant 0 : index
    %get3A_1395 = vector.load %arg2[%get3A_1393, %get3A_1394] : memref<16x2048xf32, #tpu.memory_space<vmem>>, vector<1x2048xf32>
    %mul3A_1396 = arith.mulf %get3A_1395, %mul3A_50 : vector<1x2048xf32>
    %mul3A_1397 = arith.constant -0.169030845 : f32
    %mul3A_1398 = vector.broadcast %mul3A_1397 : f32 to vector<1x2048xf32>
    %mul3A_1399 = arith.mulf %mul3A_1396, %mul3A_1398 : vector<1x2048xf32>
    %add3A_1400 = arith.addf %add3A_1352, %mul3A_1399 : vector<1x2048xf32>
    %get3A_1401 = arith.constant 13 : index
    %get3A_1402 = arith.constant 0 : index
    %get3A_1403 = vector.load %arg2[%get3A_1401, %get3A_1402] : memref<16x2048xf32, #tpu.memory_space<vmem>>, vector<1x2048xf32>
    %mul3A_1404 = arith.mulf %get3A_1403, %mul3A_33 : vector<1x2048xf32>
    %mul3A_1405 = arith.constant -0.0690065548 : f32
    %mul3A_1406 = vector.broadcast %mul3A_1405 : f32 to vector<1x2048xf32>
    %mul3A_1407 = arith.mulf %mul3A_1404, %mul3A_1406 : vector<1x2048xf32>
    %add3A_1408 = arith.addf %add3A_1384, %mul3A_1407 : vector<1x2048xf32>
    %get3A_1409 = arith.constant 13 : index
    %get3A_1410 = arith.constant 0 : index
    %get3A_1411 = vector.load %arg2[%get3A_1409, %get3A_1410] : memref<16x2048xf32, #tpu.memory_space<vmem>>, vector<1x2048xf32>
    %mul3A_1412 = arith.mulf %get3A_1411, %mul3A_46 : vector<1x2048xf32>
    %mul3A_1413 = arith.constant 0.239045724 : f32
    %mul3A_1414 = vector.broadcast %mul3A_1413 : f32 to vector<1x2048xf32>
    %mul3A_1415 = arith.mulf %mul3A_1412, %mul3A_1414 : vector<1x2048xf32>
    %add3A_1416 = arith.addf %add3A_1400, %mul3A_1415 : vector<1x2048xf32>
    %get3A_1417 = arith.constant 13 : index
    %get3A_1418 = arith.constant 0 : index
    %get3A_1419 = vector.load %arg2[%get3A_1417, %get3A_1418] : memref<16x2048xf32, #tpu.memory_space<vmem>>, vector<1x2048xf32>
    %mul3A_1420 = arith.mulf %get3A_1419, %mul3A_50 : vector<1x2048xf32>
    %mul3A_1421 = arith.constant 0.276026219 : f32
    %mul3A_1422 = vector.broadcast %mul3A_1421 : f32 to vector<1x2048xf32>
    %mul3A_1423 = arith.mulf %mul3A_1420, %mul3A_1422 : vector<1x2048xf32>
    %add3A_1424 = arith.addf %add3A_1392, %mul3A_1423 : vector<1x2048xf32>
    %get3A_1425 = arith.constant 13 : index
    %get3A_1426 = arith.constant 0 : index
    %get3A_1427 = vector.load %arg2[%get3A_1425, %get3A_1426] : memref<16x2048xf32, #tpu.memory_space<vmem>>, vector<1x2048xf32>
    %mul3A_1428 = arith.mulf %get3A_1427, %mul3A_56 : vector<1x2048xf32>
    %mul3A_1429 = arith.constant -0.0690065548 : f32
    %mul3A_1430 = vector.broadcast %mul3A_1429 : f32 to vector<1x2048xf32>
    %mul3A_1431 = arith.mulf %mul3A_1428, %mul3A_1430 : vector<1x2048xf32>
    %add3A_1432 = arith.addf %add3A_1416, %mul3A_1431 : vector<1x2048xf32>
    %get3A_1433 = arith.constant 14 : index
    %get3A_1434 = arith.constant 0 : index
    %get3A_1435 = vector.load %arg2[%get3A_1433, %get3A_1434] : memref<16x2048xf32, #tpu.memory_space<vmem>>, vector<1x2048xf32>
    %mul3A_1436 = arith.mulf %get3A_1435, %mul3A_37 : vector<1x2048xf32>
    %mul3A_1437 = arith.constant -0.218217894 : f32
    %mul3A_1438 = vector.broadcast %mul3A_1437 : f32 to vector<1x2048xf32>
    %mul3A_1439 = arith.mulf %mul3A_1436, %mul3A_1438 : vector<1x2048xf32>
    %add3A_1440 = arith.addf %add3A_1408, %mul3A_1439 : vector<1x2048xf32>
    %get3A_1441 = arith.constant 14 : index
    %get3A_1442 = arith.constant 0 : index
    %get3A_1443 = vector.load %arg2[%get3A_1441, %get3A_1442] : memref<16x2048xf32, #tpu.memory_space<vmem>>, vector<1x2048xf32>
    %mul3A_1444 = arith.mulf %get3A_1443, %mul3A_50 : vector<1x2048xf32>
    %mul3A_1445 = arith.constant 0.218217894 : f32
    %mul3A_1446 = vector.broadcast %mul3A_1445 : f32 to vector<1x2048xf32>
    %mul3A_1447 = arith.mulf %mul3A_1444, %mul3A_1446 : vector<1x2048xf32>
    %add3A_1448 = arith.addf %add3A_1432, %mul3A_1447 : vector<1x2048xf32>
    %get3A_1449 = arith.constant 14 : index
    %get3A_1450 = arith.constant 0 : index
    %get3A_1451 = vector.load %arg2[%get3A_1449, %get3A_1450] : memref<16x2048xf32, #tpu.memory_space<vmem>>, vector<1x2048xf32>
    %mul3A_1452 = arith.mulf %get3A_1451, %mul3A_56 : vector<1x2048xf32>
    %mul3A_1453 = arith.constant 0.218217894 : f32
    %mul3A_1454 = vector.broadcast %mul3A_1453 : f32 to vector<1x2048xf32>
    %mul3A_1455 = arith.mulf %mul3A_1452, %mul3A_1454 : vector<1x2048xf32>
    %add3A_1456 = arith.addf %add3A_1424, %mul3A_1455 : vector<1x2048xf32>
    %get3A_1457 = arith.constant 15 : index
    %get3A_1458 = arith.constant 0 : index
    %get3A_1459 = vector.load %arg2[%get3A_1457, %get3A_1458] : memref<16x2048xf32, #tpu.memory_space<vmem>>, vector<1x2048xf32>
    %mul3A_1460 = arith.mulf %get3A_1459, %mul3A_33 : vector<1x2048xf32>
    %mul3A_1461 = arith.constant -0.267261237 : f32
    %mul3A_1462 = vector.broadcast %mul3A_1461 : f32 to vector<1x2048xf32>
    %mul3A_1463 = arith.mulf %mul3A_1460, %mul3A_1462 : vector<1x2048xf32>
    %add3A_1464 = arith.addf %add3A_1440, %mul3A_1463 : vector<1x2048xf32>
    %get3A_1465 = arith.constant 15 : index
    %get3A_1466 = arith.constant 0 : index
    %get3A_1467 = vector.load %arg2[%get3A_1465, %get3A_1466] : memref<16x2048xf32, #tpu.memory_space<vmem>>, vector<1x2048xf32>
    %mul3A_1468 = arith.mulf %get3A_1467, %mul3A_56 : vector<1x2048xf32>
    %mul3A_1469 = arith.constant 0.267261237 : f32
    %mul3A_1470 = vector.broadcast %mul3A_1469 : f32 to vector<1x2048xf32>
    %mul3A_1471 = arith.mulf %mul3A_1468, %mul3A_1470 : vector<1x2048xf32>
    %add3A_1472 = arith.addf %add3A_1448, %mul3A_1471 : vector<1x2048xf32>
    %mul3A_1473 = arith.mulf %mul3A_1307, %add3A_1472 : vector<1x2048xf32>
    %add3A_1474 = arith.addf %add3A_726, %mul3A_1473 : vector<1x2048xf32>
    %mul3A_1475 = arith.mulf %mul3A_1307, %add3A_1464 : vector<1x2048xf32>
    %add3A_1476 = arith.addf %add3A_728, %mul3A_1475 : vector<1x2048xf32>
    %mul3A_1477 = arith.mulf %mul3A_1307, %add3A_1456 : vector<1x2048xf32>
    %add3A_1478 = arith.addf %add3A_730, %mul3A_1477 : vector<1x2048xf32>
    %slice3A_1479 = vector.extract_strided_slice %mul3A_167 {offsets = [16, 0], sizes = [1, 2048], strides = [1, 1]} : vector<17x2048xf32> to vector<1x2048xf32>
    %mul3A_1480 = arith.constant 1.32287562 : f32
    %mul3A_1481 = vector.broadcast %mul3A_1480 : f32 to vector<1x2048xf32>
    %mul3A_1482 = arith.mulf %slice3A_1479, %mul3A_1481 : vector<1x2048xf32>
    %mul3A_1483 = arith.constant 0.109108947 : f32
    %mul3A_1484 = vector.broadcast %mul3A_1483 : f32 to vector<1x2048xf32>
    %mul3A_1485 = arith.mulf %mul3A_1311, %mul3A_1484 : vector<1x2048xf32>
    %get3A_1486 = arith.constant 9 : index
    %get3A_1487 = arith.constant 0 : index
    %get3A_1488 = vector.load %arg2[%get3A_1486, %get3A_1487] : memref<16x2048xf32, #tpu.memory_space<vmem>>, vector<1x2048xf32>
    %mul3A_1489 = arith.mulf %get3A_1488, %mul3A_37 : vector<1x2048xf32>
    %mul3A_1490 = arith.constant -0.172516391 : f32
    %mul3A_1491 = vector.broadcast %mul3A_1490 : f32 to vector<1x2048xf32>
    %mul3A_1492 = arith.mulf %mul3A_1489, %mul3A_1491 : vector<1x2048xf32>
    %get3A_1493 = arith.constant 9 : index
    %get3A_1494 = arith.constant 0 : index
    %get3A_1495 = vector.load %arg2[%get3A_1493, %get3A_1494] : memref<16x2048xf32, #tpu.memory_space<vmem>>, vector<1x2048xf32>
    %mul3A_1496 = arith.mulf %get3A_1495, %mul3A_46 : vector<1x2048xf32>
    %mul3A_1497 = arith.constant 0.243975013 : f32
    %mul3A_1498 = vector.broadcast %mul3A_1497 : f32 to vector<1x2048xf32>
    %mul3A_1499 = arith.mulf %mul3A_1496, %mul3A_1498 : vector<1x2048xf32>
    %get3A_1500 = arith.constant 9 : index
    %get3A_1501 = arith.constant 0 : index
    %get3A_1502 = vector.load %arg2[%get3A_1500, %get3A_1501] : memref<16x2048xf32, #tpu.memory_space<vmem>>, vector<1x2048xf32>
    %mul3A_1503 = arith.mulf %get3A_1502, %mul3A_50 : vector<1x2048xf32>
    %mul3A_1504 = arith.constant -0.172516391 : f32
    %mul3A_1505 = vector.broadcast %mul3A_1504 : f32 to vector<1x2048xf32>
    %mul3A_1506 = arith.mulf %mul3A_1503, %mul3A_1505 : vector<1x2048xf32>
    %mul3A_1507 = arith.constant 0.109108947 : f32
    %mul3A_1508 = vector.broadcast %mul3A_1507 : f32 to vector<1x2048xf32>
    %mul3A_1509 = arith.mulf %mul3A_1318, %mul3A_1508 : vector<1x2048xf32>
    %mul3A_1510 = arith.constant 0.218217894 : f32
    %mul3A_1511 = vector.broadcast %mul3A_1510 : f32 to vector<1x2048xf32>
    %mul3A_1512 = arith.mulf %mul3A_1325, %mul3A_1511 : vector<1x2048xf32>
    %mul3A_1513 = arith.constant -0.133630618 : f32
    %mul3A_1514 = vector.broadcast %mul3A_1513 : f32 to vector<1x2048xf32>
    %mul3A_1515 = arith.mulf %mul3A_1332, %mul3A_1514 : vector<1x2048xf32>
    %add3A_1516 = arith.addf %mul3A_1485, %mul3A_1515 : vector<1x2048xf32>
    %mul3A_1517 = arith.constant 0.172516391 : f32
    %mul3A_1518 = vector.broadcast %mul3A_1517 : f32 to vector<1x2048xf32>
    %mul3A_1519 = arith.mulf %mul3A_1332, %mul3A_1518 : vector<1x2048xf32>
    %mul3A_1520 = arith.constant -0.172516391 : f32
    %mul3A_1521 = vector.broadcast %mul3A_1520 : f32 to vector<1x2048xf32>
    %mul3A_1522 = arith.mulf %mul3A_1340, %mul3A_1521 : vector<1x2048xf32>
    %add3A_1523 = arith.addf %mul3A_1499, %mul3A_1522 : vector<1x2048xf32>
    %mul3A_1524 = arith.constant -0.133630618 : f32
    %mul3A_1525 = vector.broadcast %mul3A_1524 : f32 to vector<1x2048xf32>
    %mul3A_1526 = arith.mulf %mul3A_1340, %mul3A_1525 : vector<1x2048xf32>
    %add3A_1527 = arith.addf %mul3A_1509, %mul3A_1526 : vector<1x2048xf32>
    %mul3A_1528 = arith.constant -0.169030845 : f32
    %mul3A_1529 = vector.broadcast %mul3A_1528 : f32 to vector<1x2048xf32>
    %mul3A_1530 = arith.mulf %mul3A_1348, %mul3A_1529 : vector<1x2048xf32>
    %add3A_1531 = arith.addf %add3A_1516, %mul3A_1530 : vector<1x2048xf32>
    %mul3A_1532 = arith.constant -0.109108947 : f32
    %mul3A_1533 = vector.broadcast %mul3A_1532 : f32 to vector<1x2048xf32>
    %mul3A_1534 = arith.mulf %mul3A_1348, %mul3A_1533 : vector<1x2048xf32>
    %add3A_1535 = arith.addf %mul3A_1519, %mul3A_1534 : vector<1x2048xf32>
    %mul3A_1536 = arith.constant -0.0690065548 : f32
    %mul3A_1537 = vector.broadcast %mul3A_1536 : f32 to vector<1x2048xf32>
    %mul3A_1538 = arith.mulf %mul3A_1356, %mul3A_1537 : vector<1x2048xf32>
    %add3A_1539 = arith.addf %mul3A_1512, %mul3A_1538 : vector<1x2048xf32>
    %mul3A_1540 = arith.constant 0.133630618 : f32
    %mul3A_1541 = vector.broadcast %mul3A_1540 : f32 to vector<1x2048xf32>
    %mul3A_1542 = arith.mulf %mul3A_1356, %mul3A_1541 : vector<1x2048xf32>
    %add3A_1543 = arith.addf %mul3A_1492, %mul3A_1542 : vector<1x2048xf32>
    %mul3A_1544 = arith.constant -0.146385014 : f32
    %mul3A_1545 = vector.broadcast %mul3A_1544 : f32 to vector<1x2048xf32>
    %mul3A_1546 = arith.mulf %mul3A_1364, %mul3A_1545 : vector<1x2048xf32>
    %add3A_1547 = arith.addf %add3A_1527, %mul3A_1546 : vector<1x2048xf32>
    %get3A_1548 = arith.constant 11 : index
    %get3A_1549 = arith.constant 0 : index
    %get3A_1550 = vector.load %arg2[%get3A_1548, %get3A_1549] : memref<16x2048xf32, #tpu.memory_space<vmem>>, vector<1x2048xf32>
    %mul3A_1551 = arith.mulf %get3A_1550, %mul3A_50 : vector<1x2048xf32>
    %mul3A_1552 = arith.constant -0.133630618 : f32
    %mul3A_1553 = vector.broadcast %mul3A_1552 : f32 to vector<1x2048xf32>
    %mul3A_1554 = arith.mulf %mul3A_1551, %mul3A_1553 : vector<1x2048xf32>
    %add3A_1555 = arith.addf %mul3A_1506, %mul3A_1554 : vector<1x2048xf32>
    %mul3A_1556 = arith.constant 0.109108947 : f32
    %mul3A_1557 = vector.broadcast %mul3A_1556 : f32 to vector<1x2048xf32>
    %mul3A_1558 = arith.mulf %mul3A_1372, %mul3A_1557 : vector<1x2048xf32>
    %add3A_1559 = arith.addf %add3A_1523, %mul3A_1558 : vector<1x2048xf32>
    %mul3A_1560 = arith.constant 0.169030845 : f32
    %mul3A_1561 = vector.broadcast %mul3A_1560 : f32 to vector<1x2048xf32>
    %mul3A_1562 = arith.mulf %mul3A_1372, %mul3A_1561 : vector<1x2048xf32>
    %add3A_1563 = arith.addf %add3A_1547, %mul3A_1562 : vector<1x2048xf32>
    %get3A_1564 = arith.constant 12 : index
    %get3A_1565 = arith.constant 0 : index
    %get3A_1566 = vector.load %arg2[%get3A_1564, %get3A_1565] : memref<16x2048xf32, #tpu.memory_space<vmem>>, vector<1x2048xf32>
    %mul3A_1567 = arith.mulf %get3A_1566, %mul3A_33 : vector<1x2048xf32>
    %mul3A_1568 = arith.constant 0.218217894 : f32
    %mul3A_1569 = vector.broadcast %mul3A_1568 : f32 to vector<1x2048xf32>
    %mul3A_1570 = arith.mulf %mul3A_1567, %mul3A_1569 : vector<1x2048xf32>
    %add3A_1571 = arith.addf %add3A_1555, %mul3A_1570 : vector<1x2048xf32>
    %mul3A_1572 = arith.constant -0.0690065548 : f32
    %mul3A_1573 = vector.broadcast %mul3A_1572 : f32 to vector<1x2048xf32>
    %mul3A_1574 = arith.mulf %mul3A_1380, %mul3A_1573 : vector<1x2048xf32>
    %add3A_1575 = arith.addf %add3A_1563, %mul3A_1574 : vector<1x2048xf32>
    %mul3A_1576 = arith.constant -0.195180014 : f32
    %mul3A_1577 = vector.broadcast %mul3A_1576 : f32 to vector<1x2048xf32>
    %mul3A_1578 = arith.mulf %mul3A_1388, %mul3A_1577 : vector<1x2048xf32>
    %add3A_1579 = arith.addf %add3A_1539, %mul3A_1578 : vector<1x2048xf32>
    %mul3A_1580 = arith.constant -0.0690065548 : f32
    %mul3A_1581 = vector.broadcast %mul3A_1580 : f32 to vector<1x2048xf32>
    %mul3A_1582 = arith.mulf %mul3A_1396, %mul3A_1581 : vector<1x2048xf32>
    %add3A_1583 = arith.addf %add3A_1531, %mul3A_1582 : vector<1x2048xf32>
    %get3A_1584 = arith.constant 12 : index
    %get3A_1585 = arith.constant 0 : index
    %get3A_1586 = vector.load %arg2[%get3A_1584, %get3A_1585] : memref<16x2048xf32, #tpu.memory_space<vmem>>, vector<1x2048xf32>
    %mul3A_1587 = arith.mulf %get3A_1586, %mul3A_56 : vector<1x2048xf32>
    %mul3A_1588 = arith.constant 0.218217894 : f32
    %mul3A_1589 = vector.broadcast %mul3A_1588 : f32 to vector<1x2048xf32>
    %mul3A_1590 = arith.mulf %mul3A_1587, %mul3A_1589 : vector<1x2048xf32>
    %add3A_1591 = arith.addf %add3A_1543, %mul3A_1590 : vector<1x2048xf32>
    %mul3A_1592 = arith.constant 0.109108947 : f32
    %mul3A_1593 = vector.broadcast %mul3A_1592 : f32 to vector<1x2048xf32>
    %mul3A_1594 = arith.mulf %mul3A_1404, %mul3A_1593 : vector<1x2048xf32>
    %add3A_1595 = arith.addf %add3A_1559, %mul3A_1594 : vector<1x2048xf32>
    %mul3A_1596 = arith.constant -0.169030845 : f32
    %mul3A_1597 = vector.broadcast %mul3A_1596 : f32 to vector<1x2048xf32>
    %mul3A_1598 = arith.mulf %mul3A_1404, %mul3A_1597 : vector<1x2048xf32>
    %add3A_1599 = arith.addf %add3A_1575, %mul3A_1598 : vector<1x2048xf32>
    %get3A_1600 = arith.constant 13 : index
    %get3A_1601 = arith.constant 0 : index
    %get3A_1602 = vector.load %arg2[%get3A_1600, %get3A_1601] : memref<16x2048xf32, #tpu.memory_space<vmem>>, vector<1x2048xf32>
    %mul3A_1603 = arith.mulf %get3A_1602, %mul3A_37 : vector<1x2048xf32>
    %mul3A_1604 = arith.constant -0.133630618 : f32
    %mul3A_1605 = vector.broadcast %mul3A_1604 : f32 to vector<1x2048xf32>
    %mul3A_1606 = arith.mulf %mul3A_1603, %mul3A_1605 : vector<1x2048xf32>
    %add3A_1607 = arith.addf %add3A_1571, %mul3A_1606 : vector<1x2048xf32>
    %mul3A_1608 = arith.constant -0.146385014 : f32
    %mul3A_1609 = vector.broadcast %mul3A_1608 : f32 to vector<1x2048xf32>
    %mul3A_1610 = arith.mulf %mul3A_1412, %mul3A_1609 : vector<1x2048xf32>
    %add3A_1611 = arith.addf %add3A_1583, %mul3A_1610 : vector<1x2048xf32>
    %mul3A_1612 = arith.constant -0.0690065548 : f32
    %mul3A_1613 = vector.broadcast %mul3A_1612 : f32 to vector<1x2048xf32>
    %mul3A_1614 = arith.mulf %mul3A_1420, %mul3A_1613 : vector<1x2048xf32>
    %add3A_1615 = arith.addf %add3A_1579, %mul3A_1614 : vector<1x2048xf32>
    %mul3A_1616 = arith.constant -0.133630618 : f32
    %mul3A_1617 = vector.broadcast %mul3A_1616 : f32 to vector<1x2048xf32>
    %mul3A_1618 = arith.mulf %mul3A_1420, %mul3A_1617 : vector<1x2048xf32>
    %add3A_1619 = arith.addf %add3A_1591, %mul3A_1618 : vector<1x2048xf32>
    %mul3A_1620 = arith.constant -0.169030845 : f32
    %mul3A_1621 = vector.broadcast %mul3A_1620 : f32 to vector<1x2048xf32>
    %mul3A_1622 = arith.mulf %mul3A_1428, %mul3A_1621 : vector<1x2048xf32>
    %add3A_1623 = arith.addf %add3A_1611, %mul3A_1622 : vector<1x2048xf32>
    %mul3A_1624 = arith.constant 0.109108947 : f32
    %mul3A_1625 = vector.broadcast %mul3A_1624 : f32 to vector<1x2048xf32>
    %mul3A_1626 = arith.mulf %mul3A_1428, %mul3A_1625 : vector<1x2048xf32>
    %add3A_1627 = arith.addf %add3A_1535, %mul3A_1626 : vector<1x2048xf32>
    %mul3A_1628 = arith.constant -0.172516391 : f32
    %mul3A_1629 = vector.broadcast %mul3A_1628 : f32 to vector<1x2048xf32>
    %mul3A_1630 = arith.mulf %mul3A_1436, %mul3A_1629 : vector<1x2048xf32>
    %add3A_1631 = arith.addf %add3A_1595, %mul3A_1630 : vector<1x2048xf32>
    %mul3A_1632 = arith.constant 0.133630618 : f32
    %mul3A_1633 = vector.broadcast %mul3A_1632 : f32 to vector<1x2048xf32>
    %mul3A_1634 = arith.mulf %mul3A_1436, %mul3A_1633 : vector<1x2048xf32>
    %add3A_1635 = arith.addf %add3A_1599, %mul3A_1634 : vector<1x2048xf32>
    %mul3A_1636 = arith.constant -0.133630618 : f32
    %mul3A_1637 = vector.broadcast %mul3A_1636 : f32 to vector<1x2048xf32>
    %mul3A_1638 = arith.mulf %mul3A_1444, %mul3A_1637 : vector<1x2048xf32>
    %add3A_1639 = arith.addf %add3A_1623, %mul3A_1638 : vector<1x2048xf32>
    %mul3A_1640 = arith.constant -0.172516391 : f32
    %mul3A_1641 = vector.broadcast %mul3A_1640 : f32 to vector<1x2048xf32>
    %mul3A_1642 = arith.mulf %mul3A_1444, %mul3A_1641 : vector<1x2048xf32>
    %add3A_1643 = arith.addf %add3A_1627, %mul3A_1642 : vector<1x2048xf32>
    %mul3A_1644 = arith.constant 0.218217894 : f32
    %mul3A_1645 = vector.broadcast %mul3A_1644 : f32 to vector<1x2048xf32>
    %mul3A_1646 = arith.mulf %mul3A_1452, %mul3A_1645 : vector<1x2048xf32>
    %add3A_1647 = arith.addf %add3A_1615, %mul3A_1646 : vector<1x2048xf32>
    %mul3A_1648 = arith.constant -0.109108947 : f32
    %mul3A_1649 = vector.broadcast %mul3A_1648 : f32 to vector<1x2048xf32>
    %mul3A_1650 = arith.mulf %mul3A_1460, %mul3A_1649 : vector<1x2048xf32>
    %add3A_1651 = arith.addf %add3A_1635, %mul3A_1650 : vector<1x2048xf32>
    %get3A_1652 = arith.constant 15 : index
    %get3A_1653 = arith.constant 0 : index
    %get3A_1654 = vector.load %arg2[%get3A_1652, %get3A_1653] : memref<16x2048xf32, #tpu.memory_space<vmem>>, vector<1x2048xf32>
    %mul3A_1655 = arith.mulf %get3A_1654, %mul3A_37 : vector<1x2048xf32>
    %mul3A_1656 = arith.constant 0.172516391 : f32
    %mul3A_1657 = vector.broadcast %mul3A_1656 : f32 to vector<1x2048xf32>
    %mul3A_1658 = arith.mulf %mul3A_1655, %mul3A_1657 : vector<1x2048xf32>
    %add3A_1659 = arith.addf %add3A_1607, %mul3A_1658 : vector<1x2048xf32>
    %get3A_1660 = arith.constant 15 : index
    %get3A_1661 = arith.constant 0 : index
    %get3A_1662 = vector.load %arg2[%get3A_1660, %get3A_1661] : memref<16x2048xf32, #tpu.memory_space<vmem>>, vector<1x2048xf32>
    %mul3A_1663 = arith.mulf %get3A_1662, %mul3A_46 : vector<1x2048xf32>
    %mul3A_1664 = arith.constant 0.243975013 : f32
    %mul3A_1665 = vector.broadcast %mul3A_1664 : f32 to vector<1x2048xf32>
    %mul3A_1666 = arith.mulf %mul3A_1663, %mul3A_1665 : vector<1x2048xf32>
    %add3A_1667 = arith.addf %add3A_1643, %mul3A_1666 : vector<1x2048xf32>
    %get3A_1668 = arith.constant 15 : index
    %get3A_1669 = arith.constant 0 : index
    %get3A_1670 = vector.load %arg2[%get3A_1668, %get3A_1669] : memref<16x2048xf32, #tpu.memory_space<vmem>>, vector<1x2048xf32>
    %mul3A_1671 = arith.mulf %get3A_1670, %mul3A_50 : vector<1x2048xf32>
    %mul3A_1672 = arith.constant -0.172516391 : f32
    %mul3A_1673 = vector.broadcast %mul3A_1672 : f32 to vector<1x2048xf32>
    %mul3A_1674 = arith.mulf %mul3A_1671, %mul3A_1673 : vector<1x2048xf32>
    %add3A_1675 = arith.addf %add3A_1619, %mul3A_1674 : vector<1x2048xf32>
    %mul3A_1676 = arith.constant 0.109108947 : f32
    %mul3A_1677 = vector.broadcast %mul3A_1676 : f32 to vector<1x2048xf32>
    %mul3A_1678 = arith.mulf %mul3A_1468, %mul3A_1677 : vector<1x2048xf32>
    %add3A_1679 = arith.addf %add3A_1639, %mul3A_1678 : vector<1x2048xf32>
    %mul3A_1680 = arith.mulf %mul3A_1482, %add3A_1679 : vector<1x2048xf32>
    %add3A_1681 = arith.addf %add3A_1130, %mul3A_1680 : vector<1x2048xf32>
    %mul3A_1682 = arith.mulf %mul3A_1482, %add3A_1675 : vector<1x2048xf32>
    %add3A_1683 = arith.addf %add3A_1132, %mul3A_1682 : vector<1x2048xf32>
    %mul3A_1684 = arith.mulf %mul3A_1482, %add3A_1631 : vector<1x2048xf32>
    %add3A_1685 = arith.addf %add3A_1122, %mul3A_1684 : vector<1x2048xf32>
    %mul3A_1686 = arith.mulf %mul3A_1482, %add3A_1659 : vector<1x2048xf32>
    %add3A_1687 = arith.addf %add3A_1124, %mul3A_1686 : vector<1x2048xf32>
    %mul3A_1688 = arith.mulf %mul3A_1482, %add3A_1651 : vector<1x2048xf32>
    %add3A_1689 = arith.addf %add3A_1126, %mul3A_1688 : vector<1x2048xf32>
    %mul3A_1690 = arith.mulf %mul3A_1482, %add3A_1647 : vector<1x2048xf32>
    %add3A_1691 = arith.addf %add3A_1128, %mul3A_1690 : vector<1x2048xf32>
    %mul3A_1692 = arith.mulf %mul3A_1482, %add3A_1667 : vector<1x2048xf32>
    %add3A_1693 = arith.addf %add3A_1134, %mul3A_1692 : vector<1x2048xf32>
    %concatenate3A_1694 = tpu.concatenate %add3A_886, %add3A_1476, %add3A_1478, %add3A_1474, %add3A_1297, %add3A_1301, %add3A_1303, %add3A_1299, %add3A_1295, %add3A_1685, %add3A_1687, %add3A_1689, %add3A_1691, %add3A_1681, %add3A_1683, %add3A_1693 in 0 : vector<1x2048xf32>, vector<1x2048xf32>, vector<1x2048xf32>, vector<1x2048xf32>, vector<1x2048xf32>, vector<1x2048xf32>, vector<1x2048xf32>, vector<1x2048xf32>, vector<1x2048xf32>, vector<1x2048xf32>, vector<1x2048xf32>, vector<1x2048xf32>, vector<1x2048xf32>, vector<1x2048xf32>, vector<1x2048xf32>, vector<1x2048xf32> -> vector<16x2048xf32>
    %get3A_1695 = arith.constant 0 : index
    %get3A_1696 = arith.constant 0 : index
    %get3A_1697 = vector.load %arg3[%get3A_1695, %get3A_1696] : memref<2048x1xi32, #tpu.memory_space<vmem>>, vector<1x1xi32>
    %get3A_1698 = vector.extract %get3A_1697[0, 0] : i32 from vector<1x1xi32>
    %jit3A = arith.constant 128 : i32
    %div3A_1699 = arith.divsi %get3A_1698, %jit3A : i32
    %sign3A = arith.constant 0 : i32
    %sign3A_1700 = arith.cmpi sgt, %get3A_1698, %sign3A : i32
    %sign3A_1701 = arith.extui %sign3A_1700 : i1 to i32
    %sign3A_1702 = arith.constant 0 : i32
    %sign3A_1703 = arith.cmpi slt, %get3A_1698, %sign3A_1702 : i32
    %sign3A_1704 = arith.extui %sign3A_1703 : i1 to i32
    %sign3A_1705 = arith.subi %sign3A_1701, %sign3A_1704 : i32
    %sign3A_1706 = arith.constant 0 : i32
    %sign3A_1707 = arith.cmpi sgt, %jit3A, %sign3A_1706 : i32
    %sign3A_1708 = arith.extui %sign3A_1707 : i1 to i32
    %sign3A_1709 = arith.constant 0 : i32
    %sign3A_1710 = arith.cmpi slt, %jit3A, %sign3A_1709 : i32
    %sign3A_1711 = arith.extui %sign3A_1710 : i1 to i32
    %sign3A_1712 = arith.subi %sign3A_1708, %sign3A_1711 : i32
    %ne3A = arith.cmpi ne, %sign3A_1705, %sign3A_1712 : i32
    %rem3A = arith.remsi %get3A_1698, %jit3A : i32
    %ne3A_1713 = arith.constant 0 : i32
    %ne3A_1714 = arith.cmpi ne, %rem3A, %ne3A_1713 : i32
    %and3A = arith.andi %ne3A, %ne3A_1714 : i1
    %sub3A_1715 = arith.constant 1 : i32
    %sub3A_1716 = arith.subi %div3A_1699, %sub3A_1715 : i32
    %select_n3A = arith.select %and3A, %sub3A_1716, %div3A_1699 : i32
    %mul3A_1717 = arith.constant 128 : i32
    %mul3A_1718 = arith.muli %select_n3A, %mul3A_1717 : i32
    %min3A = arith.constant 9360 : i32
    %min3A_1719 = arith.minsi %mul3A_1718, %min3A : i32
    %multiple_of3A = tpu.assume_multiple %min3A_1719, 128 : i32
    %iota3A = tpu.iota {dimensions = array<i32: 1>} : vector<2048x640xi32>
    %add3A_1720 = vector.broadcast %multiple_of3A : i32 to vector<2048x640xi32>
    %add3A_1721 = arith.addi %add3A_1720, %iota3A : vector<2048x640xi32>
    %get3A_1722 = arith.constant 0 : index
    %get3A_1723 = arith.constant 0 : index
    %get3A_1724 = vector.load %arg3[%get3A_1722, %get3A_1723] : memref<2048x1xi32, #tpu.memory_space<vmem>>, vector<2048x1xi32>
    %eq3A_1725 = vector.broadcast %get3A_1724 : vector<2048x1xi32> to vector<2048x640xi32>
    %eq3A_1726 = arith.cmpi eq, %eq3A_1725, %add3A_1721 : vector<2048x640xi32>
    %convert_element_type3A_1727 = arith.extui %eq3A_1726 : vector<2048x640xi1> to vector<2048x640xi32>
    %convert_element_type3A_1728 = arith.sitofp %convert_element_type3A_1727 : vector<2048x640xi32> to vector<2048x640xf32>
    %dot_general3A_1729 = arith.constant dense<0.000000e+00> : vector<16x640xf32>
    %dot_general3A_1730 = tpu.matmul %concatenate3A_1694, %convert_element_type3A_1728, %dot_general3A_1729 {dimension_numbers = #tpu.dot_dimension_numbers<[1], [0], [0], [1], [0, 0, 1, 1], [], []>, transpose_lhs_hint = false} : vector<16x2048xf32>, vector<2048x640xf32>, vector<16x640xf32> -> vector<16x640xf32>
    %get3A_1731 = arith.constant 0 : index
    %get3A_1732 = arith.index_cast %multiple_of3A : i32 to index
    %get3A_1733 = vector.load %arg7[%get3A_1731, %get3A_1732] : memref<16x10000xf32, #tpu.memory_space<vmem>>, vector<16x640xf32>
    %add3A_1734 = arith.addf %get3A_1733, %dot_general3A_1730 : vector<16x640xf32>
    %swap3A = arith.constant 0 : index
    %swap3A_1735 = arith.index_cast %multiple_of3A : i32 to index
    %swap3A_1736 = vector.load %arg7[%swap3A, %swap3A_1735] : memref<16x10000xf32, #tpu.memory_space<vmem>>, vector<16x640xf32>
    tpu.vector_store %arg7[%swap3A, %swap3A_1735], %add3A_1734 {strides = array<i32>} : memref<16x10000xf32, #tpu.memory_space<vmem>>, vector<16x640xf32>,
    %eq3A_1737 = arith.constant 624 : i32
    %eq3A_1738 = arith.cmpi eq, %arg0, %eq3A_1737 : i32
    %convert_element_type3A_1739 = arith.extui %eq3A_1738 : i1 to i32
    %cond3A_1740 = arith.constant 0 : i32
    %cond3A_1741 = arith.cmpi ne, %convert_element_type3A_1739, %cond3A_1740 : i32
    scf.if %cond3A_1741 {
      %get3A_1742 = arith.constant 0 : index
      %get3A_1743 = arith.constant 0 : index
      %get3A_1744 = vector.load %arg7[%get3A_1742, %get3A_1743] : memref<16x10000xf32, #tpu.memory_space<vmem>>, vector<16x10000xf32>
      %swap3A_1745 = arith.constant 0 : index
      %swap3A_1746 = arith.constant 0 : index
      %swap3A_1747 = vector.load %arg6[%swap3A_1745, %swap3A_1746] : memref<16x10000xf32, #tpu.memory_space<vmem>>, vector<16x10000xf32>
      tpu.vector_store %arg6[%swap3A_1745, %swap3A_1746], %get3A_1744 {strides = array<i32>} : memref<16x10000xf32, #tpu.memory_space<vmem>>, vector<16x10000xf32>,
    } else {
    }
    return
  }
  func.func @transform_0(%arg0: i32) -> (i32, i32) {
    %c0_i32 = arith.constant 0 : i32
    %c0_i32_0 = arith.constant 0 : i32
    return %c0_i32, %arg0 : i32, i32
  }
  func.func @transform_1(%arg0: i32) -> (i32, i32) {
    %c0_i32 = arith.constant 0 : i32
    %c0_i32_0 = arith.constant 0 : i32
    return %c0_i32, %arg0 : i32, i32
  }
  func.func @transform_2(%arg0: i32) -> (i32, i32) {
    %c0_i32 = arith.constant 0 : i32
    %c0_i32_0 = arith.constant 0 : i32
    return %arg0, %c0_i32 : i32, i32
  }
  func.func @transform_3(%arg0: i32) -> (i32, i32) {
    %c0_i32 = arith.constant 0 : i32
    %c0_i32_0 = arith.constant 0 : i32
    %c0_i32_1 = arith.constant 0 : i32
    return %c0_i32, %c0_i32_0 : i32, i32
  }
  func.func @transform_4(%arg0: i32) -> (i32, i32) {
    %c0_i32 = arith.constant 0 : i32
    %c0_i32_0 = arith.constant 0 : i32
    %c0_i32_1 = arith.constant 0 : i32
    return %c0_i32, %c0_i32_0 : i32, i32
  }
  func.func @transform_5(%arg0: i32) -> (i32, i32) {
    %c0_i32 = arith.constant 0 : i32
    %c0_i32_0 = arith.constant 0 : i32
    %c0_i32_1 = arith.constant 0 : i32
    return %c0_i32, %c0_i32_0 : i32, i32
  }
}

</mosaic_0001>

<sc_bundles>
// kernel: scatter_offload_async_start
scs
__scs_entry_jumppad:
0x0: {  	(pc) =	sbr.rel $0x88, $3  }
0x1: {  	(tag) =	ssettag $0x0;
	lr =	simm.s32 $0x1  }
0x2: {  	[smem:$0x3F9D] =	sst lr;
	_ =	strace $0xD0000000  }
0x3: {  	_ = 	snop  }
0x4: {  	_ = 	snop  }
0x5: {  	_ = 	snop  }
0x6: {  	_ = 	snop  }
0x7: {  	_ = 	snop  }
__scs_overlays_trampoline_lowered:
0x8: {  	[smem:$0x3FAC] =	sst s0  }
0x9: {  	[smem:$0x3FAD] =	sst s1  }
0xa: {  	[smem:$0x3FAE] =	sst s2  }
0xb: {  	[smem:$0x3FAF] =	sst s3  }
0xc: {  	[smem:$0x3FB0] =	sst s4  }
0xd: {  	[smem:$0x3FB1] =	sst s5  }
0xe: {  	[smem:$0x3FB2] =	sst s6  }
0xf: {  	[smem:$0x3FB3] =	sst s7  }
0x10: {  	[smem:$0x3FB4] =	sst s8  }
0x11: {  	[smem:$0x3FB5] =	sst s9;
	s0 =	simm.s32 @!p0 $0x0  }
0x12: {  	s1 =	sld [smem:$0x3F9B];
	s0 =	simm.s32 @p0 $0x1  }
0x13: {  	[smem:$0x3FB6] =	sst s0;
	s0 =	simm.s32 @!p1 $0x0  }
0x14: {  	s2 =	sld [smem:$0x3F9A];
	s0 =	simm.s32 @p1 $0x1  }
0x15: {  	[smem:$0x3FB7] =	sst s0;
	s0 =	simm.s32 @!p2 $0x0  }
0x16: {  	s3 =	sld [smem:$0x3FDB];
	s0 =	simm.s32 @p2 $0x1  }
0x17: {  	s4 =	simm.s32 $0x1BF5;
	[smem:$0x3FB9] =	sst s0  }
0x18: {  	s0 =	sld [smem:$0x3F9C];
	_ =	swait.ge [sflag:s4], $0x0  }
0x19: {  	s7 =	sld [smem:$0x3F9D]  }
0x1a: {  	s8 =	sadd.s32 $0xFFFFE003, lr  }
0x1b: {  	s9 =	sadd.s32 $0xFFFFFEF7, lr;
	s5 =	simm.s32 $0xFFFFFFFF;
	p2 =	slt.u32 s8, $0xFFFFF086  }
0x1c: {  	p1 =	slt.u32 s9, $0xF7A;
	s5 =	simm.s32 @!p2 $0x0  }
0x1d: {  	s5 =	simm.s32 @p1 $0x1;
	p0 =	seq.s32 s7, s2  }
0x1e: {  	s7 =	smul.u32 @!p0 $0xF7A, s2;
	p2 =	seq.s32 @!p0 s5, $0x0  }
0x1f: {  	s9 =	smul.u32 $0xF7A, s1;
	s8 =	simm.s32 @!p0 $0x1BF5;
	p2 =	por !p2, p0  }
0x20: {  	[sflag:s8] =	ssyncset.s32 @!p0 $0xFFFFF086;
	s6 =	sadd.s32 @!p0 s3, s7;
	s7 =	simm.s32 @!p0 $0x108  }
0x21: {  	s3 =	sadd.s32 s3, s9;
	s6 =	sadd.s32 @!p0 $0x88, s6;
	s7 =	simm.s32 @p2 $0x1082  }
0x22: {  	[simem:s7], [sflag:s8] =	dma.local @!p0 [hbm:s6], $0xF7A  }
0x23: {  	s9 =	sor.u32 $0xD0000000, s2;
	s6 =	simm.s32 $0x108;
	_ =	swait.ge @!p0 [sflag:s8], $0x0  }
0x24: {  	s3 =	sadd.s32 $0x88, s3;
	s6 =	simm.s32 @!p1 $0x1082;
	[sflag:s4] =	ssyncset.s32 $0xFFFFF086  }
0x25: {  	[simem:s6], [sflag:s4] =	dma.local [hbm:s3], $0xF7A  }
0x26: {  	[smem:$0x3F9D] =	sst s1;
	(tag) =	ssettag s2;
	_ =	strace s9  }
0x27: {  	s1 =	sld [smem:$0x3FAD]  }
0x28: {  	s2 =	sld [smem:$0x3FAE]  }
0x29: {  	s4 =	sld [smem:$0x3FB0]  }
0x2a: {  	p0 =	seq.s32 s5, $0x0;
	s5 =	sld [smem:$0x3FB1]  }
0x2b: {  	s6 =	sld [smem:$0x3FB2]  }
0x2c: {  	s7 =	sld [smem:$0x3FB3]  }
0x2d: {  	s3 =	simm.s32 $0x108;
	s8 =	sld [smem:$0x3FB4]  }
0x2e: {  	s3 =	simm.s32 @!p0 $0x1082;
	s9 =	sld [smem:$0x3FB5]  }
0x2f: {  	lr =	sadd.s32 s0, s3;
	s0 =	sld [smem:$0x3FAC]  }
0x30: {  	s3 =	sld [smem:$0x3FAF]  }
0x31: {  	[smem:$0x3FB8] =	sst s10  }
0x32: {  	s10 =	sld [smem:$0x3FB6];
	_ =	sdelay $0x3  }
0x33: {  	p0 =	seq.s32 s10, $0x1;
	s10 =	sld [smem:$0x3FB8];
	_ =	sdelay $0x3  }
0x34: {  	[smem:$0x3FB8] =	sst s10  }
0x35: {  	s10 =	sld [smem:$0x3FB7];
	_ =	sdelay $0x3  }
0x36: {  	p1 =	seq.s32 s10, $0x1;
	s10 =	sld [smem:$0x3FB8];
	_ =	sdelay $0x3  }
0x37: {  	[smem:$0x3FB8] =	sst s10  }
0x38: {  	s10 =	sld [smem:$0x3FB9]  }
0x39: {  	_ = 	snop;
	(pc) =	sbr.ind lr, $3  }
0x3a: {  	_ = 	snop  }
0x3b: {  	_ = 	snop  }
0x3c: {  	p2 =	seq.s32 s10, $0x1;
	s10 =	sld [smem:$0x3FB8]  }
0x3d: {  	_ =	shalt  }
0x3e: {  	_ =	shalt  }
0x3f: {  	_ =	shalt  }
0x40: {  	_ =	shalt  }
0x41: {  	_ =	shalt  }
0x42: {  	_ =	shalt  }
0x43: {  	_ =	shalt  }
0x44: {  	_ =	shalt  }
0x45: {  	_ =	shalt  }
0x46: {  	_ =	shalt  }
0x47: {  	_ =	shalt  }
0x48: {  	_ =	shalt  }
0x49: {  	_ =	shalt  }
0x4a: {  	_ =	shalt  }
0x4b: {  	_ =	shalt  }
0x4c: {  	_ =	shalt  }
0x4d: {  	_ =	shalt  }
0x4e: {  	_ =	shalt  }
0x4f: {  	_ =	shalt  }
0x50: {  	_ =	shalt  }
0x51: {  	_ =	shalt  }
0x52: {  	_ =	shalt  }
0x53: {  	_ =	shalt  }
0x54: {  	_ =	shalt  }
0x55: {  	_ =	shalt  }
0x56: {  	_ =	shalt  }
0x57: {  	_ =	shalt  }
0x58: {  	_ =	shalt  }
0x59: {  	_ =	shalt  }
0x5a: {  	_ =	shalt  }
0x5b: {  	_ =	shalt  }
0x5c: {  	_ =	shalt  }
0x5d: {  	_ =	shalt  }
0x5e: {  	_ =	shalt  }
0x5f: {  	_ =	shalt  }
0x60: {  	_ =	shalt  }
0x61: {  	_ =	shalt  }
0x62: {  	_ =	shalt  }
0x63: {  	_ =	shalt  }
0x64: {  	_ =	shalt  }
0x65: {  	_ =	shalt  }
0x66: {  	_ =	shalt  }
0x67: {  	_ =	shalt  }
0x68: {  	_ =	shalt  }
0x69: {  	_ =	shalt  }
0x6a: {  	_ =	shalt  }
0x6b: {  	_ =	shalt  }
0x6c: {  	_ =	shalt  }
0x6d: {  	_ =	shalt  }
0x6e: {  	_ =	shalt  }
0x6f: {  	_ =	shalt  }
0x70: {  	_ =	shalt  }
0x71: {  	_ =	shalt  }
0x72: {  	_ =	shalt  }
0x73: {  	_ =	shalt  }
0x74: {  	_ =	shalt  }
0x75: {  	_ =	shalt  }
0x76: {  	_ =	shalt  }
0x77: {  	_ =	shalt  }
0x78: {  	_ =	shalt  }
0x79: {  	_ =	shalt  }
0x7a: {  	_ =	shalt  }
0x7b: {  	_ =	shalt  }
0x7c: {  	_ =	shalt  }
0x7d: {  	_ =	shalt  }
0x7e: {  	_ =	shalt  }
0x7f: {  	_ =	shalt  }
0x80: {  	_ =	shalt  }
0x81: {  	_ =	shalt  }
0x82: {  	_ =	shalt  }
0x83: {  	_ =	shalt  }
0x84: {  	_ =	shalt  }
0x85: {  	_ =	shalt  }
0x86: {  	_ =	shalt  }
0x87: {  	_ =	shalt  }
.Lfunc_end0:
.L_simem_size_0:
called_computation_lowered:
.L_overlay_start_0:
0x88: {  	s0 =	sld [smem:$0x3FD9]  }
0x89: {  	s1 =	sld [smem:$0x3FFE];
	_ =	sdelay $0x3  }
0x8a: {  	s0 =	sadd.s32 s1, s0  }
0x8b: {  	[smem:$0x3FC4] =	sst s0  }
0x8c: {  	_ = 	snop  }
0x8d: {  	(tm) =	ssettm $0x1  }
0x8e: {  	s15 =	sld [smem:$0x3FFB];
	_ =	sdelay $0x3  }
0x8f: {  	_ =	strace s15  }
0x90: {  	s0 =	sld [smem:$0x3FFC];
	_ =	sdelay $0x3  }
0x91: {  	_ =	strace s0  }
0x92: {  	s0 =	sld [smem:$0x3FFD];
	_ =	sdelay $0x3  }
0x93: {  	_ =	strace s0  }
0x94: {  	_ =	strace $0x8FFFFFFF  }
0x95: {  	s16 =	sld [smem:$0x3FDB];
	_ =	sdelay $0x1  }
0x96: {  	s17 =	simm.s32 $_scs_section_size  }
0x97: {  	s2 =	simm.s32 $_size__tile_overlayer_lowered;
	s3 =	simm.s32 $_tile_overlayer_lowered  }
0x98: {  	s20 =	simm.s32 $0x1BFF;
	s19 =	sshll.u32 s3, $0x1;
	s0 =	sadd.s32 s17, s16  }
0x99: {  	s4 =	simm.s32 $0x0;
	s18 =	sshll.u32 s2, $0x1;
	s2 =	sadd.s32 s19, s0  }
0x9a: {  	[timem:s4], [sflag:s20] =	dma.local [hbm:s2], s18  }
0x9b: {  	_ =	swait.ge [sflag:s20], s18  }
0x9c: {  	s1 =	ssub.s32 $0x0, s18;
	[sflag:s20] =	ssyncset.done $0x0  }
0x9d: {  	[sflag:s20] =	ssyncadd.s32 s1;
	_ =	sdelay $0x1  }
0x9e: {  	s21 =	simm.s32 $0x1B8B  }
0x9f: {  	_ =	swait.ge [sflag:s21], $0x1  }
0xa0: {  	[sflag:s21] =	ssyncset.done $0x0  }
0xa1: {  	s23 =	simm.s32 $0x1B8E;
	s22 =	sld [smem:$0x3FFE];
	[sflag:s21] =	ssyncadd.s32 $0xFFFFFFFF  }
0xa2: {  	s24 =	simm.s32 $execute0_lowered;
	[smem:$0x3FD2] =	sst s23  }
0xa3: {  	s2 =	sshll.u32 s24, $0x1;
	_ =	strace $0x8000004C;
	[dreg:$0x1] =	wrdreg $0xFFFFFFFF  }
0xa4: {  	s25 =	simm.s32 $_size_execute0_lowered;
	s0 =	sadd.s32 s0, s2;
	[dreg:$0x0] =	wrdreg $0x0  }
0xa5: {  	s2 =	sshll.u32 s25, $0x1;
	[dreg:$0x2] =	wrdreg s0  }
0xa6: {  	[dreg:$0x3] =	wrdreg s2  }
0xa7: {  	[dreg:$0x4] =	wrdreg $0xC0  }
0xa8: {  	_ =	task [dreg:s4], $0x5FFFF  }
0xa9: {  	[dreg:$0x1] =	wrdreg $0xFFFFFFFF  }
0xaa: {  	[dreg:$0x0] =	wrdreg $0x60  }
0xab: {  	[dreg:$0x2] =	wrdreg s22  }
0xac: {  	[dreg:$0x3] =	wrdreg $0x9  }
0xad: {  	_ =	task.clear_ibuf [dreg:s4], $0x4FFFF;
	_ =	strace $0x9000004C  }
0xae: {  	s26 =	simm.s32 $0x9;
	_ =	strace $0x8000004E  }
0xaf: {  	_ =	swait.ge [sflag:s26], $0x1  }
0xb0: {  	[sflag:s26] =	ssyncadd.s32 $0xFFFFFFFF  }
0xb1: {  	_ =	strace $0x9000004E  }
0xb2: {  	_ =	sfence  }
0xb3: {  	s28 =	sld [smem:$0x0];
	_ =	sdelay $0x1  }
0xb4: {  	s29 =	srdreg.scid  }
0xb5: {  	s30 =	sshll.u32 s29, $0xD;
	s31 =	sshrl.u32 s29, $0x2  }
0xb6: {  	s1 =	sand.u32 $0x1, s29;
	s2 =	sand.u32 $0x4000, s30;
	s0 =	sadd.s32 s31, s28  }
0xb7: {  	s1 =	sor.u32 s2, s1;
	s0 =	sshll.u32 s0, $0x11  }
0xb8: {  	s0 =	sor.u32 s0, s1  }
0xb9: {  	s0 =	sadd.s32 $0x8F2B, s0  }
0xba: {  	[sflag:s0] =	ssyncadd.remote.s32 $0x1  }
0xbb: {  	_ =	sfence.sel $0xFFFF  }
0xbc: {  	[dreg:$0x0] =	wrdreg $0xFFFFFFFF;
	(pc) =	sbr.abs _section_cstart, $3  }
0xbd: {  	[dreg:$0x1] =	wrdreg $0xFFFFFFFF  }
0xbe: {  	_ =	task.clear_ibuf [dreg:s4], $0x2FFFF;
	_ =	strace $0x9FFFFFFF  }
0xbf: {  	(tm) =	ssettm $0x7FFFFFFF  }
tec
execute0_lowered:
.L_overlay_start_1:
0x0: {  	(tag) =	ssettag $0x1  }
0x1: {  	s2 =	rddreg [dreg:$0x0]  }
0x2: {  	s0 =	rddreg [dreg:$0x1];
	_ =	strace $0x8000004D  }
0x3: {  	s4 =	stileid.u32;
	s5 =	simm.s32 $0x3E;
	s1 =	sadd.s32 $0x1848600, s2  }
0x4: {  	p0 =	sne.s32 s4, $0x0;
	[sflag:s5] =	ssyncpa.u1 $0x0;
	s29 =	smul.u32 $0x30D, s4  }
0x5: {  	s30 =	smin.u32 s4, $0x4;
	s3 =	simm.s32 @!p0 $0x1C3E;
	s6 =	simm.s32 @!p0 $0x0  }
0x6: {  	[spmem:s6], [sflag:s3] =	dma.local @!p0 [hbm:s1], $0x27100  }
0x7: {  	s3 =	sadd.s32 s30, s29  }
0x8: {  	p1 =	slt.u32 s4, $0x4;
	s4 =	simm.s32 $0x5F7580;
	s3 =	smul.u32 $0x1F40, s3  }
0x9: {  	s4 =	simm.s32 @!p1 $0x5F5640  }
0xa: {  	s4 =	sadd.s32 s4, s3  }
0xb: {  	s4 =	smin.u32 s4, $0x5F5E100  }
0xc: {  	s7 =	ssub.s32 s4, s3  }
0xd: {  	p1 =	sgt.s32 s7, $0x0  }
0xe: {  	s7 =	simm.s32 @!p1 $0x0  }
0xf: {  	s6 =	simm.s32 @!p0 $0x3E;
	s31 =	smulhi.u32 $0x10624DD3, s7  }
0x10: {  	_ =	swait.ge @!p0 [sflag:s6], $0x27100  }
0x11: {  	[sflag:s6] =	ssyncset.done @!p0 $0x0;
	s8 =	sshrl.u32 s31, $0x9  }
0x12: {  	s11 =	simm.s32 $0x0;
	[sflag:s6] =	ssyncadd.s32 @!p0 $0xFFFD8F00;
	s9 =	smul.u32 $0x1F40, s8  }
.Ltmp0:
0x13: {  	s6 =	simm.s32 $0x2;
	[bflag:$0x0] =	sbarrier.arrive $0xFFFF;
	(pc) =	sbr.rel .LBB2_1-.Ltmp0, $4  }
0x14: {  	s10 =	smov.u32 s3;
	[sflag:s5] =	ssyncpa.u1 $0x1;
	s5 =	simm.s32 $0x1  }
0x15: {  	[sflag:s5] =	ssyncpa.u1 $0x0;
	p1 =	sne.s32 s7, s9;
	s9 =	simm.s32 $0x1  }
0x16: {  	(ifvalue) =	ssetifvalue $0x138800;
	[sflag:s6] =	ssyncpa.u1 $0x0;
	s9 =	simm.s32 @!p1 $0x0  }
0x17: {  	vm0 =	vmmov $0xffff;
	s7 =	sadd.s32 $0xC0E200, s2;
	s8 =	sadd.s32 s9, s8;
	s9 =	simm.s32 $0x0  }
.LBB2_5:
0x18: {  	p2 =	sne.s32 s11, s8  }
.Ltmp1:
0x19: {  	_ = 	snop;
	(pc) =	sbr.rel @!p2 .LBB2_6-.Ltmp1, $4  }
0x1a: {  	_ = 	snop  }
0x1b: {  	s12 =	sadd.s32 $0x1F40, s10  }
0x1c: {  	s10 =	smov.u32 s3;
	s13 =	sadd.s32 $0x1, s11;
	p1 =	slt.s32 s12, s4  }
0x1d: {  	s11 =	smov.u32 s13;
	s10 =	smov.u32 @p1 s12  }
.LBB2_1:
0x1e: {  	p1 =	sge.u32 s11, s8  }
0x1f: {  	s12 =	sxor.u32 @!p1 $0xFFFFFFFF, s11  }
0x20: {  	s12 =	sand.u32 @!p1 $0x1, s12  }
0x21: {  	s12 =	smul.u32 @!p1 $0x1F40, s12  }
0x22: {  	s13 =	sshrl.u32 @!p1 s10, $0x3  }
0x23: {  	s16 =	sand.u32 @!p1 $0x7, s10;
	s14 =	sadd.s32 @!p1 s2, s13;
	s15 =	sadd.s32 @!p1 $0x13880, s12  }
0x24: {  	[tilespmem:s15], [sflag:$0x2] =	stream.linear.gather @!p1 [hbm4b:s14+s16], $0x1F40, $0x38;
	[tilespmem:$0x1B580] =	vst v63  }
0x25: {  	s13 =	sadd.s32 @!p1 s7, s13;
	s12 =	sadd.s32 @!p1 $0x17700, s12  }
0x26: {  	[tilespmem:s12], [sflag:$0x2] =	stream.linear.gather @!p1 [hbm4b:s13+s16], $0x1F40, $0x38;
	[tilespmem:$0x1B580] =	vst v63  }
0x27: {  	p1 =	seq.s32 s11, $0x0  }
.Ltmp2:
0x28: {  	_ = 	snop;
	(pc) =	sbr.rel @p1 .LBB2_5-.Ltmp2, $1  }
0x29: {  	_ =	sdelay $0x3  }
0x2a: {  	s12 =	sand.u32 $0x1, s11  }
0x2b: {  	_ =	swait.ge [sflag:s6], $0x3E80;
	p1 =	seq.s32 s12, $0x1;
	s12 =	simm.s32 $0x1F40  }
0x2c: {  	[sflag:s6] =	ssyncset.done $0x0;
	s12 =	simm.s32 @!p1 $0x0  }
0x2d: {  	[sflag:s6] =	ssyncadd.s32 $0xFFFFC180;
	s14 =	sadd.s32 $0x13880, s12  }
0x2e: {  	v0 =	vld.msk [tilespmem:s14+$0x0 ss:$0x1], $0xffff;
	_ =	sdelay $0x4  }
0x2f: {  	v0 =	vmin.u32 v0, $0x138800;
	_ =	sdelay $0x3  }
0x30: {  	s13 =	simm.s32 $0x0;
	s12 =	sadd.s32 $0x17700, s12;
	s14 =	sadd.s32 $0x10, s14  }
0x31: {  	[spmem:s9] =	stream.indirect_vreg.scatter.add.s32 [tilespmem:s12], [sflag:$0x1], $0x1, v0, vm0, $0x4038;
	[tilespmem:$0x1B580] =	vst v63  }
.LBB2_3:
0x32: {  	v0 =	vld.msk [tilespmem:s14+$0x0 ss:$0x1], $0xffff;
	s13 =	sadd.s32 $0x10, s13  }
0x33: {  	p1 =	slt.u32 s13, $0x1F30;
	_ =	sdelay $0x4  }
0x34: {  	v0 =	vmin.u32 v0, $0x138800  }
.Ltmp3:
0x35: {  	(pc) =	sbr.rel @p1 .LBB2_3-.Ltmp3, $3  }
0x36: {  	_ =	sdelay $0x1  }
0x37: {  	s14 =	sadd.s32 $0x10, s14;
	s12 =	sadd.s32 $0x10, s12  }
0x38: {  	[spmem:s9] =	stream.indirect_vreg.scatter.add.s32 [tilespmem:s12], [sflag:$0x1], $0x1, v0, vm0, $0x4038;
	[tilespmem:$0x1B580] =	vst v63  }
.Ltmp4:
0x39: {  	(pc) =	sbr.rel .LBB2_5-.Ltmp4, $4  }
0x3a: {  	_ = 	snop  }
0x3b: {  	_ =	swait.ge [sflag:s5], $0x1F40  }
0x3c: {  	[sflag:s5] =	ssyncset.done $0x0  }
0x3d: {  	[sflag:s5] =	ssyncadd.s32 $0xFFFFE0C0  }
.LBB2_6:
0x3e: {  	_ =	sfence.sel $0x180000  }
0x3f: {  	s2 =	simm.s32 $0x2;
	[bflag:$0x0] =	sbarrier.arrive $0xFFFF  }
0x40: {  	s30 =	simm.s32 $0x1;
	[sflag:s2] =	ssyncpa.u1 $0x1  }
0x41: {  	[sflag:s30] =	ssyncpa.u1 $0x1  }
0x42: {  	_ =	sfence.stream.spmem  }
0x43: {  	s31 =	simm.s32 $0x3D;
	[bflag:$0x0] =	sbarrier.arrive $0xFFFF  }
0x44: {  	s2 =	simm.s32 @p0 $0x3D;
	[sflag:s31] =	ssyncpa.u1 $0x0  }
0x45: {  	[sflag:s2] =	ssyncpa.u1 @p0 $0x1  }
0x46: {  	[bflag:$0x0] =	sbarrier.arrive @p0 $0xFFFF  }
0x47: {  	_ =	strace @p0 $0x9000004D  }
0x48: {  	s3 =	simm.s32 @!p0 $0x1C3D;
	s2 =	simm.s32 @!p0 $0x0;
	[bflag:$0x2] =	sbarrier.arrive @p0 $0xFFFF  }
0x49: {  	[hbm:s1], [sflag:s3] =	dma.local @!p0 [spmem:s2], $0x27100  }
0x4a: {  	s1 =	simm.s32 @!p0 $0x3D  }
0x4b: {  	_ =	swait.ge @!p0 [sflag:s1], $0x27100  }
0x4c: {  	[sflag:s1] =	ssyncset.done @!p0 $0x0  }
0x4d: {  	[sflag:s1] =	ssyncadd.s32 @!p0 $0xFFFD8F00  }
0x4e: {  	[sflag:s1] =	ssyncpa.u1 @!p0 $0x1  }
0x4f: {  	[bflag:$0x0] =	sbarrier.arrive @!p0 $0xFFFF  }
0x50: {  	_ =	strace @!p0 $0x9000004D  }
0x51: {  	s0 =	sadd.s32 @!p0 $0x100000, s0;
	[bflag:$0x2] =	sbarrier.arrive @!p0 $0xFFFF  }
0x52: {  	[sflag:s0] =	ssyncadd.tile.s32 @!p0 $0x1;
	_ =	shalt  }
.Lfunc_end2:
_tile_overlayer_lowered:
.L_overlay_start_2:
0x53: {  	(tag) =	ssettag $0x2  }
0x54: {  	s0 =	rddreg [dreg:$0x0];
	s2 =	stileid.u32  }
0x55: {  	s1 =	rddreg [dreg:$0x1];
	p0 =	sne.s32 s2, $0x0  }
0x56: {  	s3 =	rddreg [dreg:$0x2];
	[bflag:$0x3] =	sbarrier.arrive $0xFFFF;
	s2 =	simm.s32 @!p0 $0x1C01  }
0x57: {  	[timem:s3], [sflag:s2] =	dma.local @!p0 [hbm:s0], s1  }
0x58: {  	s0 =	simm.s32 @!p0 $0x1  }
0x59: {  	_ =	swait.ge @!p0 [sflag:s0], s1  }
0x5a: {  	s1 =	ssub.s32 @!p0 $0x0, s1;
	[sflag:s0] =	ssyncset.done @!p0 $0x0  }
0x5b: {  	[sflag:s0] =	ssyncadd.s32 @!p0 s1  }
0x5c: {  	[bflag:$0x3] =	sbarrier.arrive $0xFFFF  }
0x5d: {  	_ =	shalt  }

// kernel: sparse-core-data-format-call.1.cloned.1.call-start
scs
called_computation.2_lowered:
.L_overlay_start_0:
0x0: {  	s1 =	sld [smem:$0x3FD9]  }
0x1: {  	s2 =	sld [smem:$0x3FFE];
	_ =	sdelay $0x1  }
0x2: {  	s3 =	srdreg.scid  }
0x3: {  	s0 =	sand.u32 $0x1, s3  }
0x4: {  	s17 =	sshll.u32 s0, $0xA;
	s1 =	sadd.s32 s2, s1  }
0x5: {  	s1 =	sadd.s32 s1, s17  }
0x6: {  	[smem:$0x3FC4] =	sst s1  }
0x7: {  	_ = 	snop  }
0x8: {  	(tm) =	ssettm $0x1  }
0x9: {  	s18 =	sld [smem:$0x3FFB];
	_ =	sdelay $0x3  }
0xa: {  	_ =	strace s18  }
0xb: {  	s1 =	sld [smem:$0x3FFC];
	_ =	sdelay $0x3  }
0xc: {  	_ =	strace s1  }
0xd: {  	s1 =	sld [smem:$0x3FFD];
	_ =	sdelay $0x3  }
0xe: {  	_ =	strace s1  }
0xf: {  	_ =	strace $0x8FFFFFFF  }
0x10: {  	s19 =	sld [smem:$0x3FDB];
	_ =	sdelay $0x1  }
0x11: {  	s20 =	simm.s32 $_scs_section_size  }
0x12: {  	s4 =	simm.s32 $_size__tile_overlayer_lowered;
	s5 =	simm.s32 $_tile_overlayer_lowered  }
0x13: {  	s23 =	simm.s32 $0x1BFF;
	s22 =	sshll.u32 s5, $0x1;
	s1 =	sadd.s32 s20, s19  }
0x14: {  	s6 =	simm.s32 $0x0;
	s21 =	sshll.u32 s4, $0x1;
	s4 =	sadd.s32 s22, s1  }
0x15: {  	[timem:s6], [sflag:s23] =	dma.local [hbm:s4], s21  }
0x16: {  	_ =	swait.ge [sflag:s23], s21  }
0x17: {  	s2 =	ssub.s32 $0x0, s21;
	[sflag:s23] =	ssyncset.done $0x0  }
0x18: {  	[sflag:s23] =	ssyncadd.s32 s2;
	_ =	sdelay $0x1  }
0x19: {  	s24 =	simm.s32 $0x1B8B  }
0x1a: {  	_ =	swait.ge [sflag:s24], $0x1  }
0x1b: {  	[sflag:s24] =	ssyncset.done $0x0  }
0x1c: {  	s26 =	simm.s32 $0x1B8E;
	s25 =	sld [smem:$0x3FFE];
	[sflag:s24] =	ssyncadd.s32 $0xFFFFFFFF  }
0x1d: {  	s27 =	simm.s32 $execute0_lowered;
	[smem:$0x3FD2] =	sst s26  }
0x1e: {  	s4 =	sshll.u32 s27, $0x1;
	_ =	strace $0x80000049;
	[dreg:$0x1] =	wrdreg $0xFFFFFFFF  }
0x1f: {  	s28 =	simm.s32 $_size_execute0_lowered;
	s1 =	sadd.s32 s1, s4;
	[dreg:$0x0] =	wrdreg $0x0  }
0x20: {  	s4 =	sshll.u32 s28, $0x1;
	[dreg:$0x2] =	wrdreg s1  }
0x21: {  	[dreg:$0x3] =	wrdreg s4  }
0x22: {  	[dreg:$0x4] =	wrdreg $0xC0  }
0x23: {  	_ =	task [dreg:s6], $0x5FFFF  }
0x24: {  	[dreg:$0x1] =	wrdreg $0xFFFFFFFF  }
0x25: {  	[dreg:$0x0] =	wrdreg $0x60  }
0x26: {  	[dreg:$0x2] =	wrdreg s25  }
0x27: {  	[dreg:$0x3] =	wrdreg $0x9  }
0x28: {  	_ =	task.clear_ibuf [dreg:s6], $0x4FFFF;
	_ =	strace $0x90000049  }
0x29: {  	s29 =	simm.s32 $0x9;
	_ =	strace $0x8000004B  }
0x2a: {  	_ =	swait.ge [sflag:s29], $0x1  }
0x2b: {  	[sflag:s29] =	ssyncadd.s32 $0xFFFFFFFF  }
0x2c: {  	_ =	strace $0x9000004B  }
0x2d: {  	_ =	sfence  }
0x2e: {  	s30 =	sld [smem:$0x0];
	_ =	sdelay $0x2  }
0x2f: {  	s31 =	sshll.u32 s3, $0xD;
	s3 =	sshrl.u32 s3, $0x2  }
0x30: {  	s2 =	sand.u32 $0x4000, s31;
	s1 =	sadd.s32 s3, s30  }
0x31: {  	s0 =	sor.u32 s2, s0;
	s1 =	sshll.u32 s1, $0x11  }
0x32: {  	s0 =	sor.u32 s1, s0  }
0x33: {  	s0 =	sadd.s32 $0x8F2B, s0  }
0x34: {  	[sflag:s0] =	ssyncadd.remote.s32 $0x1  }
0x35: {  	_ =	sfence.sel $0xFFFF  }
0x36: {  	[dreg:$0x0] =	wrdreg $0xFFFFFFFF;
	(pc) =	sbr.abs _section_cstart, $3  }
0x37: {  	[dreg:$0x1] =	wrdreg $0xFFFFFFFF  }
0x38: {  	_ =	task.clear_ibuf [dreg:s6], $0x2FFFF;
	_ =	strace $0x9FFFFFFF  }
0x39: {  	(tm) =	ssettm $0x7FFFFFFF  }
tec
execute0_lowered:
.L_overlay_start_1:
0x0: {  	(tag) =	ssettag $0x1  }
0x1: {  	s0 =	srdreg.scid;
	s2 =	rddreg [dreg:$0x0]  }
0x2: {  	s1 =	stileid.u32;
	s5 =	simm.s32 $0x1;
	s7 =	simm.s32 $0x2  }
0x3: {  	s14 =	simm.s32 $0x0;
	p0 =	por $0x0, $0x0;
	s0 =	sshll.u32 s0, $0x4  }
0x4: {  	s13 =	simm.s32 $0x0;
	s8 =	simm.s32 $0x0;
	s3 =	sand.u32 $0x10, s0  }
.Ltmp0:
0x5: {  	s9 =	simm.s32 $0x0;
	s3 =	sor.u32 s1, s3;
	(pc) =	sbr.rel .LBB1_1-.Ltmp0, $4  }
0x6: {  	s11 =	simm.s32 $0x0;
	s12 =	simm.s32 $0x0;
	s3 =	sshll.u32 s3, $0x7  }
0x7: {  	s0 =	rddreg [dreg:$0x1];
	_ =	strace $0x8000004A;
	s6 =	ssub.s32 $0xBEB80, s3  }
0x8: {  	s4 =	sadd.s32 $0xC0E200, s2;
	[sflag:s5] =	ssyncpa.u1 $0x0;
	s6 =	sshrl.u32 s6, $0xC  }
0x9: {  	[sflag:s7] =	ssyncpa.u1 $0x0;
	s10 =	smov.u32 s3;
	s7 =	sadd.s32 $0x2, s6  }
.LBB1_5:
0xa: {  	p1 =	slt.u32 s12, $0x2  }
0xb: {  	p2 =	sgt.s32 @!p1 s14, $0xBEB48  }
0xc: {  	s15 =	smov.u32 s14;
	s16 =	sshra.s32 @!p1 s14, $0x1F;
	p2 =	por !p2, p1  }
0xd: {  	s14 =	sand.u32 @!p1 s16, s14;
	s15 =	simm.s32 @p2 $0xBEB48  }
0xe: {  	s14 =	ssub.s32 @!p1 s15, s14;
	s15 =	ssub.s32 @!p1 $0x0, s13  }
0xf: {  	s17 =	smov.u32 s11;
	s16 =	sadd.s32 @!p1 $0xFFF414B8, s14;
	s13 =	smin.u32 @!p1 s13, s15  }
0x10: {  	s14 =	ssub.s32 @!p1 $0xBEBC8, s14;
	p2 =	sgt.s32 @!p1 s16, $0x7F;
	p3 =	sgt.s32 @!p1 s13, $0x7F  }
0x11: {  	s13 =	ssub.s32 @!p1 $0x80, s13;
	p2 =	por !p2, p1;
	p3 =	por !p3, p1  }
0x12: {  	s15 =	sadd.s32 $0x1000, s10;
	s14 =	simm.s32 @!p2 $0x0;
	s13 =	simm.s32 @!p3 $0x0  }
0x13: {  	p2 =	sgt.s32 s15, $0xBEBC1;
	s13 =	smul.u32 @!p1 s13, s14;
	s14 =	sadd.s32 $0x80, s11  }
0x14: {  	s17 =	smov.u32 @p2 s14  }
0x15: {  	s15 =	smov.u32 @p2 s3;
	p2 =	sgt.s32 s17, $0x7F  }
0x16: {  	s17 =	simm.s32 @p2 $0x0;
	p2 =	sne.s32 s12, s7  }
.Ltmp1:
0x17: {  	p0 =	por !p0, !p0;
	s16 =	simm.s32 @!p1 $0x2;
	(pc) =	sbr.rel @!p2 .LBB1_6-.Ltmp1, $4  }
0x18: {  	s14 =	smov.u32 s8;
	s8 =	smov.u32 s10;
	s13 =	sand.u32 @!p1 $0x3FFFFFFF, s13  }
0x19: {  	s10 =	smov.u32 s15;
	_ =	swait.ge @!p1 [sflag:s16], s13;
	s18 =	ssub.s32 @!p1 $0x0, s13  }
0x1a: {  	s13 =	smov.u32 s9;
	s12 =	sadd.s32 $0x1, s12;
	[sflag:s16] =	ssyncset.done @!p1 $0x0  }
0x1b: {  	s9 =	smov.u32 s11;
	s11 =	smov.u32 s17;
	[sflag:s16] =	ssyncadd.s32 @!p1 s18  }
.LBB1_1:
0x1c: {  	p1 =	sgt.u32 s12, s6  }
0x1d: {  	s15 =	sshrl.u32 @!p1 s11, $0x3  }
0x1e: {  	s16 =	sshll.u32 @!p1 s10, $0x3;
	s15 =	smul.u32 @!p1 $0x5F6000, s15  }
0x1f: {  	s16 =	sand.u32 @!p1 $0xFFFFFC00, s16  }
0x20: {  	s15 =	sadd.s32 @!p1 s15, s16  }
0x21: {  	s16 =	sshrl.u32 @!p1 s15, $0xA  }
0x22: {  	s17 =	sshll.u32 @!p1 s11, $0x7;
	s16 =	smulhi.u32 @!p1 $0x55E47D, s16  }
0x23: {  	s18 =	sand.u32 @!p1 $0x7F, s10;
	s17 =	sand.u32 @!p1 $0x380, s17  }
0x24: {  	s17 =	sor.u32 @!p1 s18, s17;
	s18 =	smul.u32 @!p1 $0xBEC00, s16  }
0x25: {  	s15 =	sor.u32 @!p1 s15, s17;
	s17 =	sxor.u32 @!p1 $0xFFFFFFFF, s12  }
0x26: {  	s17 =	sshll.u32 @!p1 s17, $0xE;
	s16 =	sand.u32 @!p1 $0x7F, s16;
	s15 =	ssub.s32 @!p1 s15, s18  }
0x27: {  	s16 =	smul.u32 @!p1 $0x17D80, s16;
	s18 =	sshrl.u32 @!p1 s15, $0x3;
	s15 =	sand.u32 @!p1 $0x7, s15  }
0x28: {  	s17 =	sand.u32 @!p1 $0x4000, s17;
	s18 =	sadd.s32 @!p1 s4, s18;
	s15 =	sshll.u32 @!p1 s15, $0x12  }
0x29: {  	s16 =	sadd.s32 @!p1 s16, s18;
	s15 =	sor.u32 @!p1 $0x400, s15;
	s18 =	simm.s32 @!p1 $0x5F6000  }
0x2a: {  	[tilespmem:s17], [sflag:$0x1] =	stream.strided.gather @!p1 [hbm4b:s16+s15], $0x4000, s18, s15, $0x38;
	[tilespmem:$0x10100] =	vst v63  }
0x2b: {  	p1 =	seq.s32 s12, $0x0  }
0x2c: {  	p2 =	sge.u32 @!p1 s12, s7  }
0x2d: {  	p1 =	por p1, p2  }
.Ltmp2:
0x2e: {  	_ = 	snop;
	(pc) =	sbr.rel @p1 .LBB1_5-.Ltmp2, $1  }
0x2f: {  	_ =	sdelay $0x3  }
0x30: {  	s15 =	simm.s32 $0x1  }
0x31: {  	_ =	swait.ge [sflag:s5], $0x4000;
	s15 =	simm.s32 @!p0 $0x0  }
0x32: {  	[sflag:s5] =	ssyncset.done $0x0;
	s16 =	sshll.u32 s15, $0xE  }
0x33: {  	[sflag:s5] =	ssyncadd.s32 $0xFFFFC000;
	s16 =	sor.u32 $0x40, s16  }
0x34: {  	s15 =	smul.u32 $0x10200, s15;
	v0 =	vld [tilespmem:s16+$0x30]  }
0x35: {  	v1 =	vld [tilespmem:s16+$0xFFFFFFD0]  }
0x36: {  	s15 =	sshrl.u32 s15, $0x2;
	v5 =	vld [tilespmem:s16+$0xFFFFFFE0]  }
0x37: {  	v6 =	vld [tilespmem:s16+$0xFFFFFFF0];
	s18 =	sor.u32 $0x8000, s15  }
0x38: {  	s31 =	sand.u32 $0x1, s12;
	v4 =	vld [tilespmem:s16+$0x0];
	s17 =	sadd.s32 $0x0, s18  }
0x39: {  	v3 =	vld [tilespmem:s16+$0x10];
	s15 =	smul.u32 $0x10200, s31;
	[tilespmem:s17+$0x3870 ss:$0x81] =	vst.msk $0xffff, v0  }
0x3a: {  	v2 =	vld [tilespmem:s16+$0x20];
	[tilespmem:s17+$0x810 ss:$0x81] =	vst.msk $0xffff, v1  }
0x3b: {  	s15 =	sshrl.u32 s15, $0x2;
	v0 =	vld [tilespmem:s16+$0xFFFFFFC0];
	[tilespmem:s17+$0x1020 ss:$0x81] =	vst.msk $0xffff, v5;
	s16 =	sadd.s32 $0x80, s16  }
0x3c: {  	s19 =	simm.s32 $0x4;
	s20 =	simm.s32 $0x8;
	s15 =	sor.u32 $0x8000, s15;
	[tilespmem:s17+$0x1830 ss:$0x81] =	vst.msk $0xffff, v6;
	v1 =	vld [tilespmem:s16+$0x30]  }
.LBB1_3:
0x3d: {  	p1 =	sne.s32 s20, $0x1FC;
	v5 =	vld [tilespmem:s16+$0xFFFFFFD0];
	[tilespmem:s17+$0x2040 ss:$0x81] =	vst.msk $0xffff, v4  }
0x3e: {  	v6 =	vld [tilespmem:s16+$0xFFFFFFE0];
	[tilespmem:s17+$0x2850 ss:$0x81] =	vst.msk $0xffff, v3  }
0x3f: {  	s21 =	sshra.s32 s19, $0x2;
	s19 =	smov.u32 s20;
	v7 =	vld [tilespmem:s16+$0xFFFFFFF0];
	[tilespmem:s17+$0x3060 ss:$0x81] =	vst.msk $0xffff, v2  }
.Ltmp3:
0x40: {  	v4 =	vld [tilespmem:s16+$0x0];
	[tilespmem:s17+$0x0 ss:$0x81] =	vst.msk $0xffff, v0;
	s17 =	sadd.s32 s21, s18;
	(pc) =	sbr.rel @p1 .LBB1_3-.Ltmp3, $4  }
0x41: {  	v3 =	vld [tilespmem:s16+$0x10];
	[tilespmem:s17+$0x3870 ss:$0x81] =	vst.msk $0xffff, v1  }
0x42: {  	[tilespmem:s17+$0x810 ss:$0x81] =	vst.msk $0xffff, v5;
	v2 =	vld [tilespmem:s16+$0x20]  }
0x43: {  	v0 =	vld [tilespmem:s16+$0xFFFFFFC0];
	[tilespmem:s17+$0x1020 ss:$0x81] =	vst.msk $0xffff, v6;
	s16 =	sadd.s32 $0x80, s16  }
0x44: {  	s20 =	sadd.s32 $0x4, s20;
	v1 =	vld [tilespmem:s16+$0x30];
	[tilespmem:s17+$0x1830 ss:$0x81] =	vst.msk $0xffff, v7  }
0x45: {  	s20 =	sshll.u32 s8, $0x7;
	s21 =	sshll.u32 s9, $0x3;
	s19 =	sshra.s32 s19, $0x2  }
0x46: {  	v5 =	vld [tilespmem:s16+$0xFFFFFFD0];
	[tilespmem:s17+$0x2040 ss:$0x81] =	vst.msk $0xffff, v4;
	p1 =	sgt.s32 s8, $0xBEB48;
	s22 =	sand.u32 $0xFFFFFC00, s20;
	s21 =	sand.u32 $0xFFFFFC00, s21  }
0x47: {  	v58 =	vld [tilespmem:s16+$0xFFFFFFE0];
	s24 =	sshra.s32 s8, $0x1F;
	s20 =	sand.u32 $0x380, s20;
	[tilespmem:s17+$0x2850 ss:$0x81] =	vst.msk $0xffff, v3;
	s21 =	sadd.s32 s21, s22  }
0x48: {  	v59 =	vld [tilespmem:s16+$0xFFFFFFF0];
	s26 =	ssub.s32 $0x0, s9;
	s18 =	sadd.s32 s19, s18;
	[tilespmem:s17+$0x3060 ss:$0x81] =	vst.msk $0xffff, v2;
	s23 =	sor.u32 s20, s21  }
0x49: {  	v60 =	vld [tilespmem:s16+$0x0];
	s28 =	smin.u32 s9, s26;
	s20 =	smov.u32 s8;
	[tilespmem:s17+$0x0 ss:$0x81] =	vst.msk $0xffff, v0;
	s19 =	sshrl.u32 s23, $0x7  }
0x4a: {  	v61 =	vld [tilespmem:s16+$0x10];
	s21 =	sand.u32 s24, s8;
	s20 =	simm.s32 @!p1 $0xBEB48;
	[tilespmem:s18+$0x3870 ss:$0x81] =	vst.msk $0xffff, v1;
	s25 =	smulhi.u32 $0x2AF3083, s19  }
0x4b: {  	v62 =	vld [tilespmem:s16+$0x20];
	s29 =	sshrl.u32 s9, $0x3;
	p2 =	sgt.s32 s28, $0x7F;
	s20 =	ssub.s32 s20, s21;
	[tilespmem:s18+$0x810 ss:$0x81] =	vst.msk $0xffff, v5  }
0x4c: {  	v63 =	vld [tilespmem:s16+$0xFFFFFFC0];
	[tilespmem:s18+$0x1020 ss:$0x81] =	vst.msk $0xffff, v58;
	s21 =	sadd.s32 $0xFFF414B8, s20;
	s20 =	ssub.s32 $0xBEBC8, s20;
	s17 =	sshrl.u32 s25, $0xD  }
0x4d: {  	[tilespmem:s18+$0x1830 ss:$0x81] =	vst.msk $0xffff, v59;
	p1 =	sgt.s32 s21, $0x7F;
	s27 =	smul.u32 $0xBEBC8, s17;
	s17 =	ssub.s32 $0x80, s28  }
.Ltmp4:
0x4e: {  	[tilespmem:s18+$0x2040 ss:$0x81] =	vst.msk $0xffff, v60;
	s20 =	simm.s32 @p1 $0x0;
	s17 =	simm.s32 @p2 $0x0;
	(pc) =	sbr.rel .LBB1_5-.Ltmp4, $4  }
0x4f: {  	s30 =	sand.u32 $0xF, s29;
	[tilespmem:s18+$0x2850 ss:$0x81] =	vst.msk $0xffff, v61;
	s16 =	ssub.s32 s19, s27;
	s17 =	smul.u32 s17, s20  }
0x50: {  	[tilespmem:s18+$0x3060 ss:$0x81] =	vst.msk $0xffff, v62;
	s19 =	sadd.s32 s2, s30;
	s16 =	sshll.u32 s16, $0x4  }
0x51: {  	s31 =	sand.u32 $0x7, s9;
	[tilespmem:s18+$0x0 ss:$0x81] =	vst.msk $0xffff, v63;
	s17 =	sand.u32 $0x3FFFFFFF, s17;
	s16 =	sadd.s32 s16, s19  }
0x52: {  	[hbm4b:s16+s31] =	stream.linear.scatter [tilespmem:s15], [sflag:$0x2], s17, $0x20;
	[tilespmem:$0x10100] =	vst v63  }
.LBB1_6:
0x53: {  	_ =	sfence.sel $0x180000  }
0x54: {  	s2 =	simm.s32 $0x1;
	[bflag:$0x0] =	sbarrier.arrive $0xFFFF  }
0x55: {  	s31 =	simm.s32 $0x2;
	[sflag:s2] =	ssyncpa.u1 $0x1  }
0x56: {  	[sflag:s31] =	ssyncpa.u1 $0x1  }
0x57: {  	p0 =	sne.s32 s1, $0x0;
	_ =	strace $0x9000004A  }
0x58: {  	s0 =	sadd.s32 @!p0 $0x100000, s0;
	[bflag:$0x2] =	sbarrier.arrive $0xFFFF  }
0x59: {  	[sflag:s0] =	ssyncadd.tile.s32 @!p0 $0x1;
	_ =	shalt  }
.Lfunc_end1:
_tile_overlayer_lowered:
.L_overlay_start_2:
0x5a: {  	(tag) =	ssettag $0x2  }
0x5b: {  	s0 =	rddreg [dreg:$0x0];
	s2 =	stileid.u32  }
0x5c: {  	s1 =	rddreg [dreg:$0x1];
	p0 =	sne.s32 s2, $0x0  }
0x5d: {  	s3 =	rddreg [dreg:$0x2];
	[bflag:$0x3] =	sbarrier.arrive $0xFFFF;
	s2 =	simm.s32 @!p0 $0x1C01  }
0x5e: {  	[timem:s3], [sflag:s2] =	dma.local @!p0 [hbm:s0], s1  }
0x5f: {  	s0 =	simm.s32 @!p0 $0x1  }
0x60: {  	_ =	swait.ge @!p0 [sflag:s0], s1  }
0x61: {  	s1 =	ssub.s32 @!p0 $0x0, s1;
	[sflag:s0] =	ssyncset.done @!p0 $0x0  }
0x62: {  	[sflag:s0] =	ssyncadd.s32 @!p0 s1  }
0x63: {  	[bflag:$0x3] =	sbarrier.arrive $0xFFFF  }
0x64: {  	_ =	shalt  }

// kernel: sparse-core-data-format-call.2.cloned.1.call-start
scs
called_computation.3_lowered:
.L_overlay_start_0:
0x0: {  	s1 =	sld [smem:$0x3FD9]  }
0x1: {  	s2 =	sld [smem:$0x3FFE];
	_ =	sdelay $0x1  }
0x2: {  	s3 =	srdreg.scid  }
0x3: {  	s0 =	sand.u32 $0x1, s3  }
0x4: {  	s17 =	sshll.u32 s0, $0xA;
	s1 =	sadd.s32 s2, s1  }
0x5: {  	s1 =	sadd.s32 s1, s17  }
0x6: {  	[smem:$0x3FC4] =	sst s1  }
0x7: {  	_ = 	snop  }
0x8: {  	(tm) =	ssettm $0x1  }
0x9: {  	s18 =	sld [smem:$0x3FFB];
	_ =	sdelay $0x3  }
0xa: {  	_ =	strace s18  }
0xb: {  	s1 =	sld [smem:$0x3FFC];
	_ =	sdelay $0x3  }
0xc: {  	_ =	strace s1  }
0xd: {  	s1 =	sld [smem:$0x3FFD];
	_ =	sdelay $0x3  }
0xe: {  	_ =	strace s1  }
0xf: {  	_ =	strace $0x8FFFFFFF  }
0x10: {  	s19 =	sld [smem:$0x3FDB];
	_ =	sdelay $0x1  }
0x11: {  	s20 =	simm.s32 $_scs_section_size  }
0x12: {  	s4 =	simm.s32 $_size__tile_overlayer_lowered;
	s5 =	simm.s32 $_tile_overlayer_lowered  }
0x13: {  	s23 =	simm.s32 $0x1BFF;
	s22 =	sshll.u32 s5, $0x1;
	s1 =	sadd.s32 s20, s19  }
0x14: {  	s6 =	simm.s32 $0x0;
	s21 =	sshll.u32 s4, $0x1;
	s4 =	sadd.s32 s22, s1  }
0x15: {  	[timem:s6], [sflag:s23] =	dma.local [hbm:s4], s21  }
0x16: {  	_ =	swait.ge [sflag:s23], s21  }
0x17: {  	s2 =	ssub.s32 $0x0, s21;
	[sflag:s23] =	ssyncset.done $0x0  }
0x18: {  	[sflag:s23] =	ssyncadd.s32 s2;
	_ =	sdelay $0x1  }
0x19: {  	s24 =	simm.s32 $0x1B8B  }
0x1a: {  	_ =	swait.ge [sflag:s24], $0x1  }
0x1b: {  	[sflag:s24] =	ssyncset.done $0x0  }
0x1c: {  	s26 =	simm.s32 $0x1B8E;
	s25 =	sld [smem:$0x3FFE];
	[sflag:s24] =	ssyncadd.s32 $0xFFFFFFFF  }
0x1d: {  	s27 =	simm.s32 $execute0_lowered;
	[smem:$0x3FD2] =	sst s26  }
0x1e: {  	s4 =	sshll.u32 s27, $0x1;
	_ =	strace $0x80000046;
	[dreg:$0x1] =	wrdreg $0xFFFFFFFF  }
0x1f: {  	s28 =	simm.s32 $_size_execute0_lowered;
	s1 =	sadd.s32 s1, s4;
	[dreg:$0x0] =	wrdreg $0x0  }
0x20: {  	s4 =	sshll.u32 s28, $0x1;
	[dreg:$0x2] =	wrdreg s1  }
0x21: {  	[dreg:$0x3] =	wrdreg s4  }
0x22: {  	[dreg:$0x4] =	wrdreg $0xC0  }
0x23: {  	_ =	task [dreg:s6], $0x5FFFF  }
0x24: {  	[dreg:$0x1] =	wrdreg $0xFFFFFFFF  }
0x25: {  	[dreg:$0x0] =	wrdreg $0x60  }
0x26: {  	[dreg:$0x2] =	wrdreg s25  }
0x27: {  	[dreg:$0x3] =	wrdreg $0x9  }
0x28: {  	_ =	task.clear_ibuf [dreg:s6], $0x4FFFF;
	_ =	strace $0x90000046  }
0x29: {  	s29 =	simm.s32 $0x9;
	_ =	strace $0x80000048  }
0x2a: {  	_ =	swait.ge [sflag:s29], $0x1  }
0x2b: {  	[sflag:s29] =	ssyncadd.s32 $0xFFFFFFFF  }
0x2c: {  	_ =	strace $0x90000048  }
0x2d: {  	_ =	sfence  }
0x2e: {  	s30 =	sld [smem:$0x0];
	_ =	sdelay $0x2  }
0x2f: {  	s31 =	sshll.u32 s3, $0xD;
	s3 =	sshrl.u32 s3, $0x2  }
0x30: {  	s2 =	sand.u32 $0x4000, s31;
	s1 =	sadd.s32 s3, s30  }
0x31: {  	s0 =	sor.u32 s2, s0;
	s1 =	sshll.u32 s1, $0x11  }
0x32: {  	s0 =	sor.u32 s1, s0  }
0x33: {  	s0 =	sadd.s32 $0x8F2B, s0  }
0x34: {  	[sflag:s0] =	ssyncadd.remote.s32 $0x1  }
0x35: {  	_ =	sfence.sel $0xFFFF  }
0x36: {  	[dreg:$0x0] =	wrdreg $0xFFFFFFFF;
	(pc) =	sbr.abs _section_cstart, $3  }
0x37: {  	[dreg:$0x1] =	wrdreg $0xFFFFFFFF  }
0x38: {  	_ =	task.clear_ibuf [dreg:s6], $0x2FFFF;
	_ =	strace $0x9FFFFFFF  }
0x39: {  	(tm) =	ssettm $0x7FFFFFFF  }
tec
execute0_lowered:
.L_overlay_start_1:
0x0: {  	(tag) =	ssettag $0x1  }
0x1: {  	s0 =	srdreg.scid;
	s2 =	rddreg [dreg:$0x0]  }
0x2: {  	s1 =	stileid.u32;
	s5 =	simm.s32 $0x1;
	s0 =	sshll.u32 s0, $0x4  }
0x3: {  	s7 =	simm.s32 $0x2;
	s11 =	simm.s32 $0x0;
	s3 =	sand.u32 $0x10, s0  }
.Ltmp0:
0x4: {  	p0 =	por $0x0, $0x0;
	s3 =	sor.u32 s1, s3;
	(pc) =	sbr.rel .LBB1_1-.Ltmp0, $4  }
0x5: {  	s8 =	simm.s32 $0x5F6000;
	s10 =	simm.s32 $0x0;
	s3 =	sshll.u32 s3, $0x7  }
0x6: {  	s0 =	rddreg [dreg:$0x1];
	_ =	strace $0x80000047;
	s6 =	ssub.s32 $0xBEB80, s3  }
0x7: {  	s4 =	sadd.s32 $0xC0E200, s2;
	[sflag:s5] =	ssyncpa.u1 $0x0;
	s6 =	sshrl.u32 s6, $0xC  }
0x8: {  	[sflag:s7] =	ssyncpa.u1 $0x0;
	s9 =	smov.u32 s3;
	s7 =	sadd.s32 $0x2, s6  }
.LBB1_5:
0x9: {  	s13 =	sadd.s32 $0x1000, s9  }
0xa: {  	p2 =	sgt.s32 s13, $0xBEBC1  }
0xb: {  	s13 =	smov.u32 @p2 s3;
	p2 =	sne.s32 s10, s7  }
.Ltmp1:
0xc: {  	p1 =	slt.u32 s10, $0x2;
	(pc) =	sbr.rel @!p2 .LBB1_6-.Ltmp1, $4  }
0xd: {  	s12 =	simm.s32 @!p1 $0x2  }
0xe: {  	s14 =	sadd.s32 $0x1, s10;
	_ =	swait.ge @!p1 [sflag:s12], $0x4000  }
0xf: {  	s11 =	smov.u32 s9;
	p0 =	por !p0, !p0;
	[sflag:s12] =	ssyncset.done @!p1 $0x0  }
0x10: {  	s10 =	smov.u32 s14;
	s9 =	smov.u32 s13;
	[sflag:s12] =	ssyncadd.s32 @!p1 $0xFFFFC000  }
.LBB1_1:
0x11: {  	p1 =	sgt.u32 s10, s6  }
0x12: {  	s12 =	sand.u32 @!p1 $0x1FFFFFF, s9  }
0x13: {  	p2 =	sgt.s32 @!p1 s9, $0xBEB48;
	s13 =	smulhi.u32 @!p1 $0x2AF3083, s12  }
0x14: {  	s14 =	smov.u32 s9;
	s15 =	sshra.s32 @!p1 s9, $0x1F;
	p2 =	por !p2, p1  }
0x15: {  	s15 =	sand.u32 @!p1 s15, s9;
	s14 =	simm.s32 @p2 $0xBEB48;
	s13 =	sshrl.u32 @!p1 s13, $0xD  }
0x16: {  	s14 =	ssub.s32 @!p1 s14, s15;
	s13 =	smul.u32 @!p1 $0xBEBC8, s13  }
0x17: {  	s15 =	sxor.u32 @!p1 $0xFFFFFFFF, s10;
	s14 =	sadd.s32 @!p1 $0xFFF414B8, s14  }
0x18: {  	s15 =	sshll.u32 @!p1 s15, $0xE;
	s12 =	ssub.s32 @!p1 s12, s13;
	s13 =	sshll.u32 @!p1 s14, $0x9  }
0x19: {  	s15 =	sand.u32 @!p1 $0x4000, s15;
	p2 =	sgt.s32 @!p1 s14, $0x7F;
	s13 =	ssub.s32 @!p1 $0x10000, s13  }
0x1a: {  	p2 =	por !p2, p1;
	s12 =	sshll.u32 @!p1 s12, $0x4;
	s13 =	sshrl.u32 @!p1 s13, $0x2  }
0x1b: {  	s14 =	simm.s32 @!p1 $0x0;
	s12 =	sadd.s32 @!p1 s4, s12;
	s13 =	simm.s32 @!p2 $0x0  }
0x1c: {  	[tilespmem:s15], [sflag:$0x1] =	stream.linear.gather @!p1 [hbm4b:s12+s14], s13, $0x38;
	[tilespmem:$0x10100] =	vst v63  }
0x1d: {  	p1 =	seq.s32 s10, $0x0  }
0x1e: {  	p2 =	sge.u32 @!p1 s10, s7  }
0x1f: {  	p1 =	por p1, p2  }
.Ltmp2:
0x20: {  	_ = 	snop;
	(pc) =	sbr.rel @p1 .LBB1_5-.Ltmp2, $1  }
0x21: {  	_ =	sdelay $0x3  }
0x22: {  	p1 =	sgt.s32 s11, $0xBEB48;
	s12 =	smov.u32 s11;
	s13 =	sshra.s32 s11, $0x1F  }
0x23: {  	s12 =	simm.s32 @!p1 $0xBEB48;
	s13 =	sand.u32 s13, s11  }
0x24: {  	s12 =	ssub.s32 s12, s13  }
0x25: {  	s12 =	sadd.s32 $0xFFF414B8, s12  }
0x26: {  	s29 =	sshll.u32 s12, $0x9  }
0x27: {  	s13 =	ssub.s32 $0x10000, s29  }
0x28: {  	p1 =	sgt.s32 s12, $0x7F;
	s12 =	sshrl.u32 s13, $0x2  }
0x29: {  	s13 =	simm.s32 $0x1;
	s12 =	simm.s32 @p1 $0x0  }
0x2a: {  	s13 =	simm.s32 @!p0 $0x0;
	_ =	swait.ge [sflag:s5], s12  }
0x2b: {  	s14 =	sshll.u32 s13, $0xE;
	s12 =	ssub.s32 $0x0, s12;
	[sflag:s5] =	ssyncset.done $0x0  }
0x2c: {  	s15 =	sor.u32 $0x40, s14;
	[sflag:s5] =	ssyncadd.s32 s12  }
0x2d: {  	s30 =	smul.u32 $0x10200, s13;
	v0 =	vld [tilespmem:s15+$0x30]  }
0x2e: {  	v1 =	vld [tilespmem:s15+$0xFFFFFFD0]  }
0x2f: {  	s12 =	sshrl.u32 s30, $0x2;
	v5 =	vld [tilespmem:s15+$0xFFFFFFE0]  }
0x30: {  	s13 =	sor.u32 $0x8000, s12;
	v6 =	vld [tilespmem:s15+$0xFFFFFFF0]  }
0x31: {  	s31 =	sand.u32 $0x1, s10;
	v2 =	vld [tilespmem:s15+$0x0];
	s14 =	sadd.s32 $0x0, s13  }
0x32: {  	s12 =	smul.u32 $0x10200, s31;
	v3 =	vld [tilespmem:s15+$0x10];
	[tilespmem:s14+$0x3870 ss:$0x81] =	vst.msk $0xffff, v0  }
0x33: {  	v4 =	vld [tilespmem:s15+$0x20];
	[tilespmem:s14+$0x810 ss:$0x81] =	vst.msk $0xffff, v1  }
0x34: {  	s12 =	sshrl.u32 s12, $0x2;
	v0 =	vld [tilespmem:s15+$0xFFFFFFC0];
	[tilespmem:s14+$0x1020 ss:$0x81] =	vst.msk $0xffff, v5;
	s15 =	sadd.s32 $0x80, s15  }
0x35: {  	s16 =	simm.s32 $0x4;
	s17 =	simm.s32 $0x8;
	s12 =	sor.u32 $0x8000, s12;
	[tilespmem:s14+$0x1830 ss:$0x81] =	vst.msk $0xffff, v6;
	v1 =	vld [tilespmem:s15+$0x30]  }
.LBB1_3:
0x36: {  	p1 =	sne.s32 s17, $0x1FC;
	v5 =	vld [tilespmem:s15+$0xFFFFFFD0];
	[tilespmem:s14+$0x2040 ss:$0x81] =	vst.msk $0xffff, v2  }
0x37: {  	v6 =	vld [tilespmem:s15+$0xFFFFFFE0];
	[tilespmem:s14+$0x2850 ss:$0x81] =	vst.msk $0xffff, v3  }
0x38: {  	s18 =	sshra.s32 s16, $0x2;
	s16 =	smov.u32 s17;
	v7 =	vld [tilespmem:s15+$0xFFFFFFF0];
	[tilespmem:s14+$0x3060 ss:$0x81] =	vst.msk $0xffff, v4  }
.Ltmp3:
0x39: {  	v2 =	vld [tilespmem:s15+$0x0];
	[tilespmem:s14+$0x0 ss:$0x81] =	vst.msk $0xffff, v0;
	s14 =	sadd.s32 s18, s13;
	(pc) =	sbr.rel @p1 .LBB1_3-.Ltmp3, $4  }
0x3a: {  	v3 =	vld [tilespmem:s15+$0x10];
	[tilespmem:s14+$0x3870 ss:$0x81] =	vst.msk $0xffff, v1  }
0x3b: {  	[tilespmem:s14+$0x810 ss:$0x81] =	vst.msk $0xffff, v5;
	v4 =	vld [tilespmem:s15+$0x20]  }
0x3c: {  	v0 =	vld [tilespmem:s15+$0xFFFFFFC0];
	[tilespmem:s14+$0x1020 ss:$0x81] =	vst.msk $0xffff, v6;
	s15 =	sadd.s32 $0x80, s15  }
0x3d: {  	s17 =	sadd.s32 $0x4, s17;
	v1 =	vld [tilespmem:s15+$0x30];
	[tilespmem:s14+$0x1830 ss:$0x81] =	vst.msk $0xffff, v7  }
0x3e: {  	v5 =	vld [tilespmem:s15+$0xFFFFFFD0];
	[tilespmem:s14+$0x2040 ss:$0x81] =	vst.msk $0xffff, v2  }
0x3f: {  	v58 =	vld [tilespmem:s15+$0xFFFFFFE0];
	[tilespmem:s14+$0x2850 ss:$0x81] =	vst.msk $0xffff, v3  }
0x40: {  	s16 =	sshra.s32 s16, $0x2;
	v59 =	vld [tilespmem:s15+$0xFFFFFFF0];
	s17 =	sshll.u32 s11, $0x3;
	[tilespmem:s14+$0x3060 ss:$0x81] =	vst.msk $0xffff, v4  }
0x41: {  	v60 =	vld [tilespmem:s15+$0x0];
	s13 =	sadd.s32 s16, s13;
	s26 =	sshrl.u32 s17, $0xA;
	[tilespmem:s14+$0x0 ss:$0x81] =	vst.msk $0xffff, v0  }
0x42: {  	v61 =	vld [tilespmem:s15+$0x10];
	s14 =	smulhi.u32 $0x55E47D, s26;
	[tilespmem:s13+$0x3870 ss:$0x81] =	vst.msk $0xffff, v1  }
0x43: {  	v62 =	vld [tilespmem:s15+$0x20];
	s27 =	sand.u32 $0x7F, s11;
	[tilespmem:s13+$0x810 ss:$0x81] =	vst.msk $0xffff, v5  }
0x44: {  	v63 =	vld [tilespmem:s15+$0xFFFFFFC0];
	s28 =	sand.u32 $0xFFFFFC00, s17;
	[tilespmem:s13+$0x1020 ss:$0x81] =	vst.msk $0xffff, v58;
	s29 =	smul.u32 $0xBEC00, s14;
	s14 =	sand.u32 $0x7F, s14  }
0x45: {  	s11 =	sor.u32 s27, s28;
	[tilespmem:s13+$0x1830 ss:$0x81] =	vst.msk $0xffff, v59;
	s14 =	smul.u32 $0x17D80, s14  }
.Ltmp4:
0x46: {  	[tilespmem:s13+$0x2040 ss:$0x81] =	vst.msk $0xffff, v60;
	s11 =	ssub.s32 s11, s29;
	(pc) =	sbr.rel .LBB1_5-.Ltmp4, $4  }
0x47: {  	[tilespmem:s13+$0x2850 ss:$0x81] =	vst.msk $0xffff, v61;
	s30 =	sand.u32 $0x7, s11  }
0x48: {  	[tilespmem:s13+$0x3060 ss:$0x81] =	vst.msk $0xffff, v62;
	s11 =	sshrl.u32 s11, $0x3;
	s14 =	sadd.s32 s2, s14;
	s15 =	sshll.u32 s30, $0x12  }
0x49: {  	[tilespmem:s13+$0x0 ss:$0x81] =	vst.msk $0xffff, v63;
	s11 =	sadd.s32 s11, s14;
	s31 =	sor.u32 $0x400, s15  }
0x4a: {  	[hbm4b:s11+s31] =	stream.strided.scatter [tilespmem:s12], [sflag:$0x2], $0x4000, s8, s31, $0x20;
	[tilespmem:$0x10100] =	vst v63  }
.LBB1_6:
0x4b: {  	_ =	sfence.sel $0x180000  }
0x4c: {  	s2 =	simm.s32 $0x1;
	[bflag:$0x0] =	sbarrier.arrive $0xFFFF  }
0x4d: {  	s31 =	simm.s32 $0x2;
	[sflag:s2] =	ssyncpa.u1 $0x1  }
0x4e: {  	[sflag:s31] =	ssyncpa.u1 $0x1  }
0x4f: {  	p0 =	sne.s32 s1, $0x0;
	_ =	strace $0x90000047  }
0x50: {  	s0 =	sadd.s32 @!p0 $0x100000, s0;
	[bflag:$0x2] =	sbarrier.arrive $0xFFFF  }
0x51: {  	[sflag:s0] =	ssyncadd.tile.s32 @!p0 $0x1;
	_ =	shalt  }
.Lfunc_end1:
_tile_overlayer_lowered:
.L_overlay_start_2:
0x52: {  	(tag) =	ssettag $0x2  }
0x53: {  	s0 =	rddreg [dreg:$0x0];
	s2 =	stileid.u32  }
0x54: {  	s1 =	rddreg [dreg:$0x1];
	p0 =	sne.s32 s2, $0x0  }
0x55: {  	s3 =	rddreg [dreg:$0x2];
	[bflag:$0x3] =	sbarrier.arrive $0xFFFF;
	s2 =	simm.s32 @!p0 $0x1C01  }
0x56: {  	[timem:s3], [sflag:s2] =	dma.local @!p0 [hbm:s0], s1  }
0x57: {  	s0 =	simm.s32 @!p0 $0x1  }
0x58: {  	_ =	swait.ge @!p0 [sflag:s0], s1  }
0x59: {  	s1 =	ssub.s32 @!p0 $0x0, s1;
	[sflag:s0] =	ssyncset.done @!p0 $0x0  }
0x5a: {  	[sflag:s0] =	ssyncadd.s32 @!p0 s1  }
0x5b: {  	[bflag:$0x3] =	sbarrier.arrive $0xFFFF  }
0x5c: {  	_ =	shalt  }

// kernel: sparse-core-data-format-call.cloned.1.call-start
scs
called_computation.1_lowered:
.L_overlay_start_0:
0x0: {  	s1 =	sld [smem:$0x3FD9]  }
0x1: {  	s2 =	sld [smem:$0x3FFE];
	_ =	sdelay $0x1  }
0x2: {  	s3 =	srdreg.scid  }
0x3: {  	s0 =	sand.u32 $0x1, s3  }
0x4: {  	s17 =	sshll.u32 s0, $0xA;
	s1 =	sadd.s32 s2, s1  }
0x5: {  	s1 =	sadd.s32 s1, s17  }
0x6: {  	[smem:$0x3FC4] =	sst s1  }
0x7: {  	_ = 	snop  }
0x8: {  	(tm) =	ssettm $0x1  }
0x9: {  	s18 =	sld [smem:$0x3FFB];
	_ =	sdelay $0x3  }
0xa: {  	_ =	strace s18  }
0xb: {  	s1 =	sld [smem:$0x3FFC];
	_ =	sdelay $0x3  }
0xc: {  	_ =	strace s1  }
0xd: {  	s1 =	sld [smem:$0x3FFD];
	_ =	sdelay $0x3  }
0xe: {  	_ =	strace s1  }
0xf: {  	_ =	strace $0x8FFFFFFF  }
0x10: {  	s19 =	sld [smem:$0x3FDB];
	_ =	sdelay $0x1  }
0x11: {  	s20 =	simm.s32 $_scs_section_size  }
0x12: {  	s4 =	simm.s32 $_size__tile_overlayer_lowered;
	s5 =	simm.s32 $_tile_overlayer_lowered  }
0x13: {  	s23 =	simm.s32 $0x1BFF;
	s22 =	sshll.u32 s5, $0x1;
	s1 =	sadd.s32 s20, s19  }
0x14: {  	s6 =	simm.s32 $0x0;
	s21 =	sshll.u32 s4, $0x1;
	s4 =	sadd.s32 s22, s1  }
0x15: {  	[timem:s6], [sflag:s23] =	dma.local [hbm:s4], s21  }
0x16: {  	_ =	swait.ge [sflag:s23], s21  }
0x17: {  	s2 =	ssub.s32 $0x0, s21;
	[sflag:s23] =	ssyncset.done $0x0  }
0x18: {  	[sflag:s23] =	ssyncadd.s32 s2;
	_ =	sdelay $0x1  }
0x19: {  	s24 =	simm.s32 $0x1B8B  }
0x1a: {  	_ =	swait.ge [sflag:s24], $0x1  }
0x1b: {  	[sflag:s24] =	ssyncset.done $0x0  }
0x1c: {  	s26 =	simm.s32 $0x1B8E;
	s25 =	sld [smem:$0x3FFE];
	[sflag:s24] =	ssyncadd.s32 $0xFFFFFFFF  }
0x1d: {  	s27 =	simm.s32 $execute0_lowered;
	[smem:$0x3FD2] =	sst s26  }
0x1e: {  	s4 =	sshll.u32 s27, $0x1;
	_ =	strace $0x8000004F;
	[dreg:$0x1] =	wrdreg $0xFFFFFFFF  }
0x1f: {  	s28 =	simm.s32 $_size_execute0_lowered;
	s1 =	sadd.s32 s1, s4;
	[dreg:$0x0] =	wrdreg $0x0  }
0x20: {  	s4 =	sshll.u32 s28, $0x1;
	[dreg:$0x2] =	wrdreg s1  }
0x21: {  	[dreg:$0x3] =	wrdreg s4  }
0x22: {  	[dreg:$0x4] =	wrdreg $0xC0  }
0x23: {  	_ =	task [dreg:s6], $0x5FFFF  }
0x24: {  	[dreg:$0x1] =	wrdreg $0xFFFFFFFF  }
0x25: {  	[dreg:$0x0] =	wrdreg $0x60  }
0x26: {  	[dreg:$0x2] =	wrdreg s25  }
0x27: {  	[dreg:$0x3] =	wrdreg $0x9  }
0x28: {  	_ =	task.clear_ibuf [dreg:s6], $0x4FFFF;
	_ =	strace $0x9000004F  }
0x29: {  	s29 =	simm.s32 $0x9;
	_ =	strace $0x80000051  }
0x2a: {  	_ =	swait.ge [sflag:s29], $0x1  }
0x2b: {  	[sflag:s29] =	ssyncadd.s32 $0xFFFFFFFF  }
0x2c: {  	_ =	strace $0x90000051  }
0x2d: {  	_ =	sfence  }
0x2e: {  	s30 =	sld [smem:$0x0];
	_ =	sdelay $0x2  }
0x2f: {  	s31 =	sshll.u32 s3, $0xD;
	s3 =	sshrl.u32 s3, $0x2  }
0x30: {  	s2 =	sand.u32 $0x4000, s31;
	s1 =	sadd.s32 s3, s30  }
0x31: {  	s0 =	sor.u32 s2, s0;
	s1 =	sshll.u32 s1, $0x11  }
0x32: {  	s0 =	sor.u32 s1, s0  }
0x33: {  	s0 =	sadd.s32 $0x8F2B, s0  }
0x34: {  	[sflag:s0] =	ssyncadd.remote.s32 $0x1  }
0x35: {  	_ =	sfence.sel $0xFFFF  }
0x36: {  	[dreg:$0x0] =	wrdreg $0xFFFFFFFF;
	(pc) =	sbr.abs _section_cstart, $3  }
0x37: {  	[dreg:$0x1] =	wrdreg $0xFFFFFFFF  }
0x38: {  	_ =	task.clear_ibuf [dreg:s6], $0x2FFFF;
	_ =	strace $0x9FFFFFFF  }
0x39: {  	(tm) =	ssettm $0x7FFFFFFF  }
tec
execute0_lowered:
.L_overlay_start_1:
0x0: {  	(tag) =	ssettag $0x1  }
0x1: {  	s0 =	srdreg.scid  }
0x2: {  	s4 =	rddreg [dreg:$0x0];
	s1 =	stileid.u32  }
0x3: {  	s5 =	simm.s32 $0x1;
	s7 =	simm.s32 $0x2;
	s0 =	sshll.u32 s0, $0x4  }
0x4: {  	s11 =	simm.s32 $0x0;
	p0 =	por $0x0, $0x0;
	s2 =	sand.u32 $0x10, s0  }
.Ltmp0:
0x5: {  	s8 =	simm.s32 $0x9C3800;
	s3 =	sor.u32 s1, s2;
	(pc) =	sbr.rel .LBB1_1-.Ltmp0, $4  }
0x6: {  	s0 =	rddreg [dreg:$0x1];
	_ =	strace $0x80000050;
	s3 =	sshll.u32 s3, $0x7  }
0x7: {  	s10 =	simm.s32 $0x0;
	s2 =	sadd.s32 $0x1821400, s4;
	s6 =	ssub.s32 $0x138680, s3  }
0x8: {  	s4 =	sadd.s32 $0xC70200, s4;
	[sflag:s5] =	ssyncpa.u1 $0x0;
	s6 =	sshrl.u32 s6, $0xC  }
0x9: {  	[sflag:s7] =	ssyncpa.u1 $0x0;
	s9 =	smov.u32 s3;
	s7 =	sadd.s32 $0x2, s6  }
.LBB1_5:
0xa: {  	s13 =	sadd.s32 $0x1000, s9  }
0xb: {  	p2 =	sgt.s32 s13, $0x1386B1  }
0xc: {  	s13 =	smov.u32 @p2 s3;
	p2 =	sne.s32 s10, s7  }
.Ltmp1:
0xd: {  	p1 =	slt.u32 s10, $0x2;
	(pc) =	sbr.rel @!p2 .LBB1_6-.Ltmp1, $4  }
0xe: {  	s12 =	simm.s32 @!p1 $0x2  }
0xf: {  	s14 =	sadd.s32 $0x1, s10;
	_ =	swait.ge @!p1 [sflag:s12], $0x800  }
0x10: {  	s11 =	smov.u32 s9;
	p0 =	por !p0, !p0;
	[sflag:s12] =	ssyncset.done @!p1 $0x0  }
0x11: {  	s10 =	smov.u32 s14;
	s9 =	smov.u32 s13;
	[sflag:s12] =	ssyncadd.s32 @!p1 $0xFFFFF800  }
.LBB1_1:
0x12: {  	p1 =	sgt.u32 s10, s6  }
0x13: {  	s13 =	smov.u32 s9;
	p2 =	sgt.s32 @!p1 s9, $0x138638  }
0x14: {  	s12 =	sand.u32 @!p1 $0x1FFFFFF, s9;
	s14 =	sshra.s32 @!p1 s9, $0x1F;
	p2 =	por !p2, p1  }
0x15: {  	s15 =	smulhi.u32 @!p1 $0x1A389B5, s12;
	s14 =	sand.u32 @!p1 s14, s9;
	s13 =	simm.s32 @p2 $0x138638  }
0x16: {  	s13 =	ssub.s32 @!p1 s13, s14  }
0x17: {  	s14 =	sshrl.u32 @!p1 s15, $0xD;
	s13 =	sadd.s32 @!p1 $0xFFEC79C8, s13  }
0x18: {  	s15 =	sxor.u32 @!p1 $0xFFFFFFFF, s10;
	s14 =	smul.u32 @!p1 $0x1386B8, s14;
	s16 =	sshll.u32 @!p1 s13, $0x6  }
0x19: {  	s15 =	sshll.u32 @!p1 s15, $0xB;
	p2 =	sgt.s32 @!p1 s13, $0x7F;
	s13 =	ssub.s32 @!p1 $0x2000, s16  }
0x1a: {  	s12 =	ssub.s32 @!p1 s12, s14;
	p2 =	por !p2, p1;
	s14 =	sand.u32 @!p1 $0x800, s15  }
0x1b: {  	s15 =	simm.s32 @!p1 $0x10;
	s13 =	sshrl.u32 @!p1 s13, $0x2;
	s12 =	sshll.u32 @!p1 s12, $0x4  }
0x1c: {  	s16 =	simm.s32 @!p1 $0x80;
	s13 =	simm.s32 @!p2 $0x0;
	s12 =	sadd.s32 @!p1 s2, s12  }
0x1d: {  	[tilespmem:s14], [sflag:$0x1] =	stream.strided.gather @!p1 [hbm4b:s12+s15], s13, s16, s15, $0x38;
	[tilespmem:$0x2020] =	vst v63  }
0x1e: {  	p1 =	seq.s32 s10, $0x0  }
0x1f: {  	p2 =	sge.u32 @!p1 s10, s7  }
0x20: {  	p1 =	por p1, p2  }
.Ltmp2:
0x21: {  	_ = 	snop;
	(pc) =	sbr.rel @p1 .LBB1_5-.Ltmp2, $1  }
0x22: {  	_ =	sdelay $0x3  }
0x23: {  	p1 =	sgt.s32 s11, $0x138638;
	s12 =	smov.u32 s11;
	s13 =	sshra.s32 s11, $0x1F  }
0x24: {  	s12 =	simm.s32 @!p1 $0x138638;
	s13 =	sand.u32 s13, s11  }
0x25: {  	s12 =	ssub.s32 s12, s13  }
0x26: {  	s12 =	sadd.s32 $0xFFEC79C8, s12  }
0x27: {  	s29 =	sshll.u32 s12, $0x6  }
0x28: {  	s13 =	ssub.s32 $0x2000, s29  }
0x29: {  	p1 =	sgt.s32 s12, $0x7F;
	s12 =	sshrl.u32 s13, $0x2  }
0x2a: {  	s13 =	simm.s32 $0x1;
	s12 =	simm.s32 @p1 $0x0  }
0x2b: {  	s13 =	simm.s32 @!p0 $0x0;
	_ =	swait.ge [sflag:s5], s12  }
0x2c: {  	s14 =	sshll.u32 s13, $0xB;
	s12 =	ssub.s32 $0x0, s12;
	[sflag:s5] =	ssyncset.done $0x0  }
0x2d: {  	s15 =	sor.u32 $0x40, s14;
	[sflag:s5] =	ssyncadd.s32 s12  }
0x2e: {  	v2 =	vld [tilespmem:s15+$0x30]  }
0x2f: {  	s30 =	smul.u32 $0x2040, s13;
	v4 =	vld [tilespmem:s15+$0xFFFFFFD0]  }
0x30: {  	v5 =	vld [tilespmem:s15+$0xFFFFFFE0]  }
0x31: {  	s31 =	sand.u32 $0x1, s10;
	s12 =	sshrl.u32 s30, $0x2;
	v0 =	vld [tilespmem:s15+$0xFFFFFFF0]  }
0x32: {  	s13 =	smul.u32 $0x2040, s31;
	s12 =	sor.u32 $0x1007, s12;
	v3 =	vld [tilespmem:s15+$0x0]  }
0x33: {  	v1 =	vld [tilespmem:s15+$0x10];
	[tilespmem:s12+$0x0 ss:$0x81] =	vst.msk $0xffff, v2  }
0x34: {  	s13 =	sshrl.u32 s13, $0x2;
	[tilespmem:s12+$0xFFFFFFFA ss:$0x81] =	vst.msk $0xffff, v4;
	v4 =	vld [tilespmem:s15+$0x20]  }
0x35: {  	s14 =	simm.s32 $0x0;
	s13 =	sor.u32 $0x1000, s13;
	v2 =	vld [tilespmem:s15+$0xFFFFFFC0];
	[tilespmem:s12+$0xFFFFFFFB ss:$0x81] =	vst.msk $0xffff, v5;
	s15 =	sadd.s32 $0x80, s15  }
.LBB1_3:
0x36: {  	v5 =	vld [tilespmem:s15+$0x30];
	s14 =	sadd.s32 $0x8, s14;
	[tilespmem:s12+$0xFFFFFFFC ss:$0x81] =	vst.msk $0xffff, v0  }
0x37: {  	v6 =	vld [tilespmem:s15+$0xFFFFFFD0];
	p1 =	slt.u32 s14, $0x78;
	[tilespmem:s12+$0xFFFFFFFD ss:$0x81] =	vst.msk $0xffff, v3  }
0x38: {  	v7 =	vld [tilespmem:s15+$0xFFFFFFE0];
	[tilespmem:s12+$0xFFFFFFFE ss:$0x81] =	vst.msk $0xffff, v1  }
.Ltmp3:
0x39: {  	v0 =	vld [tilespmem:s15+$0xFFFFFFF0];
	[tilespmem:s12+$0xFFFFFFFF ss:$0x81] =	vst.msk $0xffff, v4;
	(pc) =	sbr.rel @p1 .LBB1_3-.Ltmp3, $4  }
0x3a: {  	v3 =	vld [tilespmem:s15+$0x0];
	[tilespmem:s12+$0xFFFFFFF9 ss:$0x81] =	vst.msk $0xffff, v2;
	s12 =	sadd.s32 $0x8, s12  }
0x3b: {  	v1 =	vld [tilespmem:s15+$0x10];
	[tilespmem:s12+$0x0 ss:$0x81] =	vst.msk $0xffff, v5  }
0x3c: {  	[tilespmem:s12+$0xFFFFFFFA ss:$0x81] =	vst.msk $0xffff, v6;
	v4 =	vld [tilespmem:s15+$0x20]  }
0x3d: {  	v2 =	vld [tilespmem:s15+$0xFFFFFFC0];
	[tilespmem:s12+$0xFFFFFFFB ss:$0x81] =	vst.msk $0xffff, v7;
	s15 =	sadd.s32 $0x80, s15  }
0x3e: {  	s14 =	sshll.u32 s11, $0x3  }
0x3f: {  	s14 =	sand.u32 $0xFFFFFC00, s14  }
0x40: {  	s15 =	sshrl.u32 s14, $0x8  }
0x41: {  	s15 =	smulhi.u32 $0xD1C1D5, s15;
	_ =	sdelay $0x1  }
0x42: {  	s15 =	sshrl.u32 s15, $0x4  }
0x43: {  	s28 =	sand.u32 $0x7F, s11;
	s16 =	smul.u32 $0x138700, s15  }
0x44: {  	[tilespmem:s12+$0xFFFFFFFC ss:$0x81] =	vst.msk $0xffff, v0;
	s11 =	sor.u32 s28, s14  }
.Ltmp4:
0x45: {  	[tilespmem:s12+$0xFFFFFFFD ss:$0x81] =	vst.msk $0xffff, v3;
	s29 =	sand.u32 $0xF, s15;
	s11 =	ssub.s32 s11, s16;
	(pc) =	sbr.rel .LBB1_5-.Ltmp4, $4  }
0x46: {  	[tilespmem:s12+$0xFFFFFFFE ss:$0x81] =	vst.msk $0xffff, v1;
	s14 =	smul.u32 $0x270E0, s29;
	s30 =	sshrl.u32 s11, $0x3;
	s11 =	sand.u32 $0x7, s11  }
0x47: {  	[tilespmem:s12+$0xFFFFFFFF ss:$0x81] =	vst.msk $0xffff, v4;
	s15 =	sadd.s32 s4, s30;
	s11 =	sshll.u32 s11, $0x12  }
0x48: {  	[tilespmem:s12+$0xFFFFFFF9 ss:$0x81] =	vst.msk $0xffff, v2;
	s31 =	sadd.s32 s14, s15;
	s11 =	sor.u32 $0x400, s11  }
0x49: {  	[hbm4b:s31+s11] =	stream.strided.scatter [tilespmem:s13], [sflag:$0x2], $0x800, s8, s11, $0x20;
	[tilespmem:$0x2020] =	vst v63  }
.LBB1_6:
0x4a: {  	_ =	sfence.sel $0x180000  }
0x4b: {  	s2 =	simm.s32 $0x1;
	[bflag:$0x0] =	sbarrier.arrive $0xFFFF  }
0x4c: {  	s31 =	simm.s32 $0x2;
	[sflag:s2] =	ssyncpa.u1 $0x1  }
0x4d: {  	[sflag:s31] =	ssyncpa.u1 $0x1  }
0x4e: {  	p0 =	sne.s32 s1, $0x0;
	_ =	strace $0x90000050  }
0x4f: {  	s0 =	sadd.s32 @!p0 $0x100000, s0;
	[bflag:$0x2] =	sbarrier.arrive $0xFFFF  }
0x50: {  	[sflag:s0] =	ssyncadd.tile.s32 @!p0 $0x1;
	_ =	shalt  }
.Lfunc_end1:
_tile_overlayer_lowered:
.L_overlay_start_2:
0x51: {  	(tag) =	ssettag $0x2  }
0x52: {  	s0 =	rddreg [dreg:$0x0];
	s2 =	stileid.u32  }
0x53: {  	s1 =	rddreg [dreg:$0x1];
	p0 =	sne.s32 s2, $0x0  }
0x54: {  	s3 =	rddreg [dreg:$0x2];
	[bflag:$0x3] =	sbarrier.arrive $0xFFFF;
	s2 =	simm.s32 @!p0 $0x1C01  }
0x55: {  	[timem:s3], [sflag:s2] =	dma.local @!p0 [hbm:s0], s1  }
0x56: {  	s0 =	simm.s32 @!p0 $0x1  }
0x57: {  	_ =	swait.ge @!p0 [sflag:s0], s1  }
0x58: {  	s1 =	ssub.s32 @!p0 $0x0, s1;
	[sflag:s0] =	ssyncset.done @!p0 $0x0  }
0x59: {  	[sflag:s0] =	ssyncadd.s32 @!p0 s1  }
0x5a: {  	[bflag:$0x3] =	sbarrier.arrive $0xFFFF  }
0x5b: {  	_ =	shalt  }

</sc_bundles>
